<compile_context>
chip_gen: v7x
topology: tpu7x:2x2x1
jax: 0.10.2.dev20260603
libtpu: 0.0.44.dev20260713+nightly
codegen_flags: <defaults>
</compile_context>

<pallas_src>
import functools

import jax
import jax.numpy as jnp
from jax import lax
from jax.experimental import pallas as pl
from jax.experimental.pallas import tpu as pltpu
from jax.experimental.pallas import tpu_sc as plsc

B = 16384
DIALECT_VOCAB = 1000
CHAR_VOCAB = 100000
EMB = 64
LANES = 16
ROW = 128
NC = 2
NS = 16
NW = NC * NS
B_PER_W = B // NW
GCHUNK = 16

RL_BLOCK = 10240
PACKED_ROWS = 51200
N_SRC_BLOCKS = (CHAR_VOCAB + 1 + RL_BLOCK - 1) // RL_BLOCK


def _relayout_body(lo_ref, hi_ref, out_ref):
    out_ref[...] = jnp.concatenate([lo_ref[...].T, hi_ref[...].T], axis=1)


def _relayout(tab_t):
    grid = (PACKED_ROWS // RL_BLOCK,)
    nhb = PACKED_ROWS // RL_BLOCK
    return pl.pallas_call(
        _relayout_body,
        grid=grid,
        in_specs=[
            pl.BlockSpec((EMB, RL_BLOCK), lambda i: (0, i)),
            pl.BlockSpec((EMB, RL_BLOCK),
                         lambda i: (0, jnp.minimum(nhb + i, N_SRC_BLOCKS - 1))),
        ],
        out_specs=pl.BlockSpec((RL_BLOCK, ROW), lambda i: (i, 0)),
        out_shape=jax.ShapeDtypeStruct((PACKED_ROWS, ROW), jnp.float32),
    )(tab_t, tab_t)


def _char_gather_body(c_idx_hbm, ctab_hbm, out_hbm, idx_c, rows_c, sem_c):
    wid = lax.axis_index("s") * NC + lax.axis_index("c")
    base = wid * B_PER_W

    pltpu.sync_copy(c_idx_hbm.at[pl.ds(base, B_PER_W)], idx_c)

    def remap(i, _):
        s = pl.ds(i * LANES, LANES)
        vc = idx_c[s]
        vc = jnp.where(vc >= 0, vc, CHAR_VOCAB)
        idx_c[s] = jnp.where(vc < PACKED_ROWS, vc, vc - PACKED_ROWS)
        return 0

    lax.fori_loop(0, B_PER_W // LANES, remap, 0)

    handles = [
        pltpu.async_copy(ctab_hbm.at[idx_c[pl.ds(j * GCHUNK, GCHUNK)]],
                         rows_c.at[pl.ds(j * GCHUNK, GCHUNK)], sem_c)
        for j in range(B_PER_W // GCHUNK)
    ]
    for h in handles:
        h.wait()
    pltpu.sync_copy(rows_c, out_hbm.at[pl.ds(base, B_PER_W)])


_char_gather = functools.partial(
    pl.kernel,
    mesh=plsc.VectorSubcoreMesh(
        core_axis_name="c", subcore_axis_name="s",
        num_cores=NC, num_subcores=NS),
    out_type=jax.ShapeDtypeStruct((B, ROW), jnp.float32),
    scratch_types=[
        pltpu.VMEM((B_PER_W,), jnp.int32),
        pltpu.VMEM((B_PER_W, ROW), jnp.float32),
        pltpu.SemaphoreType.DMA,
    ],
    compiler_params=pltpu.CompilerParams(use_tc_tiling_on_sc=True),
)(_char_gather_body)


def _demb_body(d_idx_ref, dtab_ref, out_ref):
    br = out_ref.shape[0]
    di = d_idx_ref[...].reshape(br, 1)
    di = jnp.where(di >= 0, di, DIALECT_VOCAB)
    onehot = (di == lax.broadcasted_iota(jnp.int32, (br, DIALECT_VOCAB + 1),
                                         1)).astype(jnp.float32)
    out_ref[...] = jnp.dot(onehot, dtab_ref[...],
                           preferred_element_type=jnp.float32)


def _demb(d_idx, dtab, block_rows=2048):
    return pl.pallas_call(
        _demb_body,
        grid=(B // block_rows,),
        in_specs=[
            pl.BlockSpec((block_rows,), lambda i: (i,)),
            pl.BlockSpec((DIALECT_VOCAB + 1, EMB), lambda i: (0, 0)),
        ],
        out_specs=pl.BlockSpec((block_rows, EMB), lambda i: (i, 0)),
        out_shape=jax.ShapeDtypeStruct((B, EMB), jnp.float32),
    )(d_idx, dtab)


def _decode_body(demb_ref, c_idx_ref, crows_ref, w0_ref, b0_ref,
                 w1_ref, b1_ref, w2_ref, b2_ref, l0_ref, l1_ref, l2_ref):
    br = crows_ref.shape[0]
    ci = c_idx_ref[...].reshape(br, 1)
    chalf = jnp.where(ci >= 0, ci, CHAR_VOCAB) >= PACKED_ROWS
    e = demb_ref[...] + jnp.where(chalf, crows_ref[:, EMB:],
                                  crows_ref[:, :EMB])
    et = e.T
    l0_ref[...] = jnp.dot(w0_ref[...].T, et,
                          preferred_element_type=jnp.float32) + b0_ref[...]
    l1_ref[...] = jnp.dot(w1_ref[...].T, et,
                          preferred_element_type=jnp.float32) + b1_ref[...]
    l2_ref[...] = jnp.dot(w2_ref[...].T, et,
                          preferred_element_type=jnp.float32) + b2_ref[...]


def _decode(demb, c_idx, crows, W0, b0, W1, b1, W2, b2,
            block_rows=4096):
    grid = (B // block_rows,)
    n0, n1, n2 = W0.shape[1], W1.shape[1], W2.shape[1]
    full = lambda shape: pl.BlockSpec(shape, lambda i: (0, 0))
    l0t, l1t, l2t = pl.pallas_call(
        _decode_body,
        grid=grid,
        in_specs=[
            pl.BlockSpec((block_rows, EMB), lambda i: (i, 0)),
            pl.BlockSpec((block_rows,), lambda i: (i,)),
            pl.BlockSpec((block_rows, ROW), lambda i: (i, 0)),
            full((EMB, n0)), full((n0, 1)),
            full((EMB, n1)), full((n1, 1)),
            full((EMB, n2)), full((n2, 1)),
        ],
        out_specs=[
            pl.BlockSpec((n0, block_rows), lambda i: (0, i)),
            pl.BlockSpec((n1, block_rows), lambda i: (0, i)),
            pl.BlockSpec((n2, block_rows), lambda i: (0, i)),
        ],
        out_shape=[
            jax.ShapeDtypeStruct((n0, B), jnp.float32),
            jax.ShapeDtypeStruct((n1, B), jnp.float32),
            jax.ShapeDtypeStruct((n2, B), jnp.float32),
        ],
    )(demb, c_idx, crows, W0, b0.reshape(n0, 1), W1,
      b1.reshape(n1, 1), W2, b2.reshape(n2, 1))
    return l0t.T, l1t.T, l2t.T


def kernel(dialects, chars, dialect_table, char_table, W0, b0, W1, b1, W2, b2):
    c_idx = chars.reshape(B).astype(jnp.int32)
    ctab_rm = _relayout(char_table.T)
    crows = _char_gather(c_idx, ctab_rm)
    demb = _demb(dialects.reshape(B).astype(jnp.int32), dialect_table)
    return _decode(demb, c_idx, crows, W0, b0, W1, b1, W2, b2)

# --- scband reference (transcript-rebuilt; emitter-appended) ---
"""Pipeline reference for scband-encoder-base-86998857548422 (READ-ONLY COPY).

The authoritative reference and input builder live on the scoring server;
editing this copy changes nothing except your own understanding.
"""

import jax, jax.numpy as jnp
import numpy as np

B = 16384
DIALECT_VOCAB = 1000
CHAR_VOCAB = 100000
TARGET_VOCABS = (100, 200, 16)
EMB = 64

def setup_inputs(seed: int = 0) -> dict:
    key = jax.random.key(seed)
    ks = jax.random.split(key, 12)
    dialects = jax.random.randint(ks[0], (B, 1), 0, DIALECT_VOCAB, dtype=jnp.int64 if jax.config.jax_enable_x64 else jnp.int32)
    chars = jax.random.randint(ks[1], (B, 1), 0, CHAR_VOCAB, dtype=jnp.int64 if jax.config.jax_enable_x64 else jnp.int32)
    dialect_table = jax.random.normal(ks[2], (DIALECT_VOCAB + 1, EMB), dtype=jnp.float32) * 0.02
    char_table = jax.random.normal(ks[3], (CHAR_VOCAB + 1, EMB), dtype=jnp.float32) * 0.02
    W0 = jax.random.normal(ks[4], (EMB, TARGET_VOCABS[0] + 1), dtype=jnp.float32) * 0.02
    b0 = jnp.zeros((TARGET_VOCABS[0] + 1,), dtype=jnp.float32)
    W1 = jax.random.normal(ks[5], (EMB, TARGET_VOCABS[1] + 1), dtype=jnp.float32) * 0.02
    b1 = jnp.zeros((TARGET_VOCABS[1] + 1,), dtype=jnp.float32)
    W2 = jax.random.normal(ks[6], (EMB, TARGET_VOCABS[2] + 1), dtype=jnp.float32) * 0.02
    b2 = jnp.zeros((TARGET_VOCABS[2] + 1,), dtype=jnp.float32)
    return {"dialects": dialects, "chars": chars, "dialect_table": dialect_table,
            "char_table": char_table, "W0": W0, "b0": b0, "W1": W1, "b1": b1, "W2": W2, "b2": b2}

def reference(dialects, chars, dialect_table, char_table, W0, b0, W1, b1, W2, b2):
    # encode_dialect: per-field embedding lookup with OOV remap (idx<0 -> vocab_size), stack+mean over fields
    d_idx = jnp.where(dialects[:, 0] >= 0, dialects[:, 0], DIALECT_VOCAB)
    dialect_emb = jnp.stack([jnp.take(dialect_table, d_idx, axis=0)], axis=2).mean(axis=-1)
    # encode_char
    c_idx = jnp.where(chars[:, 0] >= 0, chars[:, 0], CHAR_VOCAB)
    char_emb = jnp.stack([jnp.take(char_table, c_idx, axis=0)], axis=2).mean(axis=-1)
    # transform: abstract _transform implemented as additive fusion (residual=False)
    output_emb = dialect_emb + char_emb
    # decode: one linear head per target vocab
    l0 = output_emb @ W0 + b0
    l1 = output_emb @ W1 + b1
    l2 = output_emb @ W2 + b2
    return (l0, l1, l2)

if __name__ == "__main__":
    import jax
    _d = setup_inputs()
    print(jax.jit(kernel)(*tuple(_d.values())))

</pallas_src>

<mosaic_0001>
#map = affine_map<(d0, d1) -> (0)>
#map1 = affine_map<(d0, d1) -> (0, 0)>
module attributes {stable_mosaic.version = 14 : i64} {
  func.func @_char_gather_body(%arg0: i32, %arg1: i32, %arg2: memref<16384xi32, #tpu.memory_space<hbm>>, %arg3: memref<51200x128xf32, #tpu.memory_space<hbm>>, %arg4: memref<16384x128xf32, #tpu.memory_space<hbm>>, %arg5: memref<512xi32, #tpu.memory_space<vmem>>, %arg6: memref<512x128xf32, #tpu.memory_space<vmem>>, %arg7: memref<!tpu.dma_semaphore, #tpu.memory_space<semaphore_mem>>) attributes {dimension_semantics = [#tpu.dimension_semantics<core_parallel>, #tpu.dimension_semantics<subcore_parallel>], iteration_bounds = array<i64: 2, 16>, scalar_prefetch = 0 : i64, scratch_operands = 3 : i64, tpu.core_type = #tpu.core_type<sc_vector_subcore>, window_params = [{transform_indices = #map}, {transform_indices = #map1}, {transform_indices = #map1}]} {
    %mul3A = arith.constant 2 : i32
    %mul3A_0 = arith.muli %arg1, %mul3A : i32
    %add3A = arith.addi %mul3A_0, %arg0 : i32
    %mul3A_1 = arith.constant 512 : i32
    %mul3A_2 = arith.muli %add3A, %mul3A_1 : i32
    "tpu.region"() ({
      %run_scoped3A = tpu.sem_alloc : memref<!tpu.dma_semaphore, #tpu.memory_space<semaphore_mem>>
      %dma_start3A_486 = tpu.memref_slice %arg2[%mul3A_2] : memref<16384xi32, #tpu.memory_space<hbm>> -> memref<512xi32, #tpu.memory_space<hbm>>
      %dma_start3A_487 = tpu.memref_slice %arg2[%mul3A_2] : memref<16384xi32, #tpu.memory_space<hbm>> -> memref<512xi32, #tpu.memory_space<hbm>>
      tpu.enqueue_dma source(%dma_start3A_487 : memref<512xi32, #tpu.memory_space<hbm>>) target(%arg5 : memref<512xi32, #tpu.memory_space<vmem>>) target_semaphore(%run_scoped3A : memref<!tpu.dma_semaphore, #tpu.memory_space<semaphore_mem>>)
      %dma_wait3A_488 = tpu.memref_slice %arg2[%mul3A_2] : memref<16384xi32, #tpu.memory_space<hbm>> -> memref<512xi32, #tpu.memory_space<hbm>>
      %dma_wait3A_489 = tpu.memref_slice %arg2[%mul3A_2] : memref<16384xi32, #tpu.memory_space<hbm>> -> memref<512xi32, #tpu.memory_space<hbm>>
      tpu.wait_dma2 semaphore(%run_scoped3A : memref<!tpu.dma_semaphore, #tpu.memory_space<semaphore_mem>>) src(%dma_wait3A_489 : memref<512xi32, #tpu.memory_space<hbm>>) dst(%arg5 : memref<512xi32, #tpu.memory_space<vmem>>)
      tpu.yield
    }) : () -> ()
    %scan3A = arith.constant 0 : i32
    %scan3A_3 = arith.constant 0 : i32
    %scan3A_4 = arith.constant 32 : i32
    %scan3A_5 = arith.addi %scan3A_3, %scan3A_4 : i32
    %scan3A_6 = arith.constant 1 : i32
    %scan3A_7 = scf.for %scan3A_486 = %scan3A_3 to %scan3A_5 step %scan3A_6 iter_args(%scan3A_487 = %scan3A) -> (i32)  : i32 {
      %mul3A_488 = arith.constant 16 : i32
      %mul3A_489 = arith.muli %scan3A_486, %mul3A_488 : i32
      %get3A_490 = arith.index_cast %mul3A_489 : i32 to index
      %get3A_491 = tpu.vector_load %arg5[%get3A_490] {strides = array<i32>} : memref<512xi32, #tpu.memory_space<vmem>>, vector<16xi32>,
      %get3A_492 = vector.shape_cast %get3A_491 : vector<16xi32> to vector<16xi32>
      %ge3A = arith.constant 0 : i32
      %ge3A_493 = vector.broadcast %ge3A : i32 to vector<16xi32>
      %ge3A_494 = arith.cmpi sge, %get3A_492, %ge3A_493 : vector<16xi32>
      %jit3A = arith.constant 100000 : i32
      %broadcast_in_dim3A = vector.broadcast %jit3A : i32 to vector<16xi32>
      %select_n3A = arith.select %ge3A_494, %get3A_492, %broadcast_in_dim3A : vector<16xi1>, vector<16xi32>
      %lt3A = arith.constant 51200 : i32
      %lt3A_495 = vector.broadcast %lt3A : i32 to vector<16xi32>
      %lt3A_496 = arith.cmpi slt, %select_n3A, %lt3A_495 : vector<16xi32>
      %sub3A = arith.constant 51200 : i32
      %sub3A_497 = vector.broadcast %sub3A : i32 to vector<16xi32>
      %sub3A_498 = arith.subi %select_n3A, %sub3A_497 : vector<16xi32>
      %select_n3A_499 = arith.select %lt3A_496, %select_n3A, %sub3A_498 : vector<16xi1>, vector<16xi32>
      %swap3A = arith.index_cast %mul3A_489 : i32 to index
      %swap3A_500 = tpu.vector_load %arg5[%swap3A] {strides = array<i32>} : memref<512xi32, #tpu.memory_space<vmem>>, vector<16xi32>,
      %swap3A_501 = vector.shape_cast %swap3A_500 : vector<16xi32> to vector<16xi32>
      %swap3A_502 = vector.shape_cast %select_n3A_499 : vector<16xi32> to vector<16xi32>
      tpu.vector_store %arg5[%swap3A], %swap3A_502 {strides = array<i32>} : memref<512xi32, #tpu.memory_space<vmem>>, vector<16xi32>,
      %scan3A_503 = arith.constant 0 : i32
      scf.yield %scan3A_503 : i32
    }
    %scan3A_8 = arith.constant 32 : i32
    %get3A = arith.constant 0 : index
    %get3A_9 = tpu.vector_load %arg5[%get3A] {strides = array<i32>} : memref<512xi32, #tpu.memory_space<vmem>>, vector<16xi32>,
    %get3A_10 = vector.shape_cast %get3A_9 : vector<16xi32> to vector<16xi32>
    %dma_start3A = arith.constant 0 : i32
    %dma_start3A_11 = arith.constant 0 : i32
    %dma_start3A_12 = tpu.memref_slice %arg6[%dma_start3A, %dma_start3A_11] : memref<512x128xf32, #tpu.memory_space<vmem>> -> memref<16x128xf32, #tpu.memory_space<vmem>>
    %dma_start3A_13 = arith.constant 0 : i32
    %dma_start3A_14 = arith.constant 0 : i32
    %dma_start3A_15 = tpu.memref_slice %arg3[%dma_start3A_13, %dma_start3A_14] : memref<51200x128xf32, #tpu.memory_space<hbm>> -> memref<51200x128xf32, #tpu.memory_space<hbm>>
    tpu.enqueue_indirect_dma source(%dma_start3A_15 : memref<51200x128xf32, #tpu.memory_space<hbm>>) target(%dma_start3A_12 : memref<16x128xf32, #tpu.memory_space<vmem>>) offsets(%get3A_10 : vector<16xi32>) semaphore(%arg7 : memref<!tpu.dma_semaphore, #tpu.memory_space<semaphore_mem>>)
    %get3A_16 = arith.constant 16 : index
    %get3A_17 = tpu.vector_load %arg5[%get3A_16] {strides = array<i32>} : memref<512xi32, #tpu.memory_space<vmem>>, vector<16xi32>,
    %get3A_18 = vector.shape_cast %get3A_17 : vector<16xi32> to vector<16xi32>
    %dma_start3A_19 = arith.constant 16 : i32
    %dma_start3A_20 = arith.constant 0 : i32
    %dma_start3A_21 = tpu.memref_slice %arg6[%dma_start3A_19, %dma_start3A_20] : memref<512x128xf32, #tpu.memory_space<vmem>> -> memref<16x128xf32, #tpu.memory_space<vmem>>
    %dma_start3A_22 = arith.constant 0 : i32
    %dma_start3A_23 = arith.constant 0 : i32
    %dma_start3A_24 = tpu.memref_slice %arg3[%dma_start3A_22, %dma_start3A_23] : memref<51200x128xf32, #tpu.memory_space<hbm>> -> memref<51200x128xf32, #tpu.memory_space<hbm>>
    tpu.enqueue_indirect_dma source(%dma_start3A_24 : memref<51200x128xf32, #tpu.memory_space<hbm>>) target(%dma_start3A_21 : memref<16x128xf32, #tpu.memory_space<vmem>>) offsets(%get3A_18 : vector<16xi32>) semaphore(%arg7 : memref<!tpu.dma_semaphore, #tpu.memory_space<semaphore_mem>>)
    %get3A_25 = arith.constant 32 : index
    %get3A_26 = tpu.vector_load %arg5[%get3A_25] {strides = array<i32>} : memref<512xi32, #tpu.memory_space<vmem>>, vector<16xi32>,
    %get3A_27 = vector.shape_cast %get3A_26 : vector<16xi32> to vector<16xi32>
    %dma_start3A_28 = arith.constant 32 : i32
    %dma_start3A_29 = arith.constant 0 : i32
    %dma_start3A_30 = tpu.memref_slice %arg6[%dma_start3A_28, %dma_start3A_29] : memref<512x128xf32, #tpu.memory_space<vmem>> -> memref<16x128xf32, #tpu.memory_space<vmem>>
    %dma_start3A_31 = arith.constant 0 : i32
    %dma_start3A_32 = arith.constant 0 : i32
    %dma_start3A_33 = tpu.memref_slice %arg3[%dma_start3A_31, %dma_start3A_32] : memref<51200x128xf32, #tpu.memory_space<hbm>> -> memref<51200x128xf32, #tpu.memory_space<hbm>>
    tpu.enqueue_indirect_dma source(%dma_start3A_33 : memref<51200x128xf32, #tpu.memory_space<hbm>>) target(%dma_start3A_30 : memref<16x128xf32, #tpu.memory_space<vmem>>) offsets(%get3A_27 : vector<16xi32>) semaphore(%arg7 : memref<!tpu.dma_semaphore, #tpu.memory_space<semaphore_mem>>)
    %get3A_34 = arith.constant 48 : index
    %get3A_35 = tpu.vector_load %arg5[%get3A_34] {strides = array<i32>} : memref<512xi32, #tpu.memory_space<vmem>>, vector<16xi32>,
    %get3A_36 = vector.shape_cast %get3A_35 : vector<16xi32> to vector<16xi32>
    %dma_start3A_37 = arith.constant 48 : i32
    %dma_start3A_38 = arith.constant 0 : i32
    %dma_start3A_39 = tpu.memref_slice %arg6[%dma_start3A_37, %dma_start3A_38] : memref<512x128xf32, #tpu.memory_space<vmem>> -> memref<16x128xf32, #tpu.memory_space<vmem>>
    %dma_start3A_40 = arith.constant 0 : i32
    %dma_start3A_41 = arith.constant 0 : i32
    %dma_start3A_42 = tpu.memref_slice %arg3[%dma_start3A_40, %dma_start3A_41] : memref<51200x128xf32, #tpu.memory_space<hbm>> -> memref<51200x128xf32, #tpu.memory_space<hbm>>
    tpu.enqueue_indirect_dma source(%dma_start3A_42 : memref<51200x128xf32, #tpu.memory_space<hbm>>) target(%dma_start3A_39 : memref<16x128xf32, #tpu.memory_space<vmem>>) offsets(%get3A_36 : vector<16xi32>) semaphore(%arg7 : memref<!tpu.dma_semaphore, #tpu.memory_space<semaphore_mem>>)
    %get3A_43 = arith.constant 64 : index
    %get3A_44 = tpu.vector_load %arg5[%get3A_43] {strides = array<i32>} : memref<512xi32, #tpu.memory_space<vmem>>, vector<16xi32>,
    %get3A_45 = vector.shape_cast %get3A_44 : vector<16xi32> to vector<16xi32>
    %dma_start3A_46 = arith.constant 64 : i32
    %dma_start3A_47 = arith.constant 0 : i32
    %dma_start3A_48 = tpu.memref_slice %arg6[%dma_start3A_46, %dma_start3A_47] : memref<512x128xf32, #tpu.memory_space<vmem>> -> memref<16x128xf32, #tpu.memory_space<vmem>>
    %dma_start3A_49 = arith.constant 0 : i32
    %dma_start3A_50 = arith.constant 0 : i32
    %dma_start3A_51 = tpu.memref_slice %arg3[%dma_start3A_49, %dma_start3A_50] : memref<51200x128xf32, #tpu.memory_space<hbm>> -> memref<51200x128xf32, #tpu.memory_space<hbm>>
    tpu.enqueue_indirect_dma source(%dma_start3A_51 : memref<51200x128xf32, #tpu.memory_space<hbm>>) target(%dma_start3A_48 : memref<16x128xf32, #tpu.memory_space<vmem>>) offsets(%get3A_45 : vector<16xi32>) semaphore(%arg7 : memref<!tpu.dma_semaphore, #tpu.memory_space<semaphore_mem>>)
    %get3A_52 = arith.constant 80 : index
    %get3A_53 = tpu.vector_load %arg5[%get3A_52] {strides = array<i32>} : memref<512xi32, #tpu.memory_space<vmem>>, vector<16xi32>,
    %get3A_54 = vector.shape_cast %get3A_53 : vector<16xi32> to vector<16xi32>
    %dma_start3A_55 = arith.constant 80 : i32
    %dma_start3A_56 = arith.constant 0 : i32
    %dma_start3A_57 = tpu.memref_slice %arg6[%dma_start3A_55, %dma_start3A_56] : memref<512x128xf32, #tpu.memory_space<vmem>> -> memref<16x128xf32, #tpu.memory_space<vmem>>
    %dma_start3A_58 = arith.constant 0 : i32
    %dma_start3A_59 = arith.constant 0 : i32
    %dma_start3A_60 = tpu.memref_slice %arg3[%dma_start3A_58, %dma_start3A_59] : memref<51200x128xf32, #tpu.memory_space<hbm>> -> memref<51200x128xf32, #tpu.memory_space<hbm>>
    tpu.enqueue_indirect_dma source(%dma_start3A_60 : memref<51200x128xf32, #tpu.memory_space<hbm>>) target(%dma_start3A_57 : memref<16x128xf32, #tpu.memory_space<vmem>>) offsets(%get3A_54 : vector<16xi32>) semaphore(%arg7 : memref<!tpu.dma_semaphore, #tpu.memory_space<semaphore_mem>>)
    %get3A_61 = arith.constant 96 : index
    %get3A_62 = tpu.vector_load %arg5[%get3A_61] {strides = array<i32>} : memref<512xi32, #tpu.memory_space<vmem>>, vector<16xi32>,
    %get3A_63 = vector.shape_cast %get3A_62 : vector<16xi32> to vector<16xi32>
    %dma_start3A_64 = arith.constant 96 : i32
    %dma_start3A_65 = arith.constant 0 : i32
    %dma_start3A_66 = tpu.memref_slice %arg6[%dma_start3A_64, %dma_start3A_65] : memref<512x128xf32, #tpu.memory_space<vmem>> -> memref<16x128xf32, #tpu.memory_space<vmem>>
    %dma_start3A_67 = arith.constant 0 : i32
    %dma_start3A_68 = arith.constant 0 : i32
    %dma_start3A_69 = tpu.memref_slice %arg3[%dma_start3A_67, %dma_start3A_68] : memref<51200x128xf32, #tpu.memory_space<hbm>> -> memref<51200x128xf32, #tpu.memory_space<hbm>>
    tpu.enqueue_indirect_dma source(%dma_start3A_69 : memref<51200x128xf32, #tpu.memory_space<hbm>>) target(%dma_start3A_66 : memref<16x128xf32, #tpu.memory_space<vmem>>) offsets(%get3A_63 : vector<16xi32>) semaphore(%arg7 : memref<!tpu.dma_semaphore, #tpu.memory_space<semaphore_mem>>)
    %get3A_70 = arith.constant 112 : index
    %get3A_71 = tpu.vector_load %arg5[%get3A_70] {strides = array<i32>} : memref<512xi32, #tpu.memory_space<vmem>>, vector<16xi32>,
    %get3A_72 = vector.shape_cast %get3A_71 : vector<16xi32> to vector<16xi32>
    %dma_start3A_73 = arith.constant 112 : i32
    %dma_start3A_74 = arith.constant 0 : i32
    %dma_start3A_75 = tpu.memref_slice %arg6[%dma_start3A_73, %dma_start3A_74] : memref<512x128xf32, #tpu.memory_space<vmem>> -> memref<16x128xf32, #tpu.memory_space<vmem>>
    %dma_start3A_76 = arith.constant 0 : i32
    %dma_start3A_77 = arith.constant 0 : i32
    %dma_start3A_78 = tpu.memref_slice %arg3[%dma_start3A_76, %dma_start3A_77] : memref<51200x128xf32, #tpu.memory_space<hbm>> -> memref<51200x128xf32, #tpu.memory_space<hbm>>
    tpu.enqueue_indirect_dma source(%dma_start3A_78 : memref<51200x128xf32, #tpu.memory_space<hbm>>) target(%dma_start3A_75 : memref<16x128xf32, #tpu.memory_space<vmem>>) offsets(%get3A_72 : vector<16xi32>) semaphore(%arg7 : memref<!tpu.dma_semaphore, #tpu.memory_space<semaphore_mem>>)
    %get3A_79 = arith.constant 128 : index
    %get3A_80 = tpu.vector_load %arg5[%get3A_79] {strides = array<i32>} : memref<512xi32, #tpu.memory_space<vmem>>, vector<16xi32>,
    %get3A_81 = vector.shape_cast %get3A_80 : vector<16xi32> to vector<16xi32>
    %dma_start3A_82 = arith.constant 128 : i32
    %dma_start3A_83 = arith.constant 0 : i32
    %dma_start3A_84 = tpu.memref_slice %arg6[%dma_start3A_82, %dma_start3A_83] : memref<512x128xf32, #tpu.memory_space<vmem>> -> memref<16x128xf32, #tpu.memory_space<vmem>>
    %dma_start3A_85 = arith.constant 0 : i32
    %dma_start3A_86 = arith.constant 0 : i32
    %dma_start3A_87 = tpu.memref_slice %arg3[%dma_start3A_85, %dma_start3A_86] : memref<51200x128xf32, #tpu.memory_space<hbm>> -> memref<51200x128xf32, #tpu.memory_space<hbm>>
    tpu.enqueue_indirect_dma source(%dma_start3A_87 : memref<51200x128xf32, #tpu.memory_space<hbm>>) target(%dma_start3A_84 : memref<16x128xf32, #tpu.memory_space<vmem>>) offsets(%get3A_81 : vector<16xi32>) semaphore(%arg7 : memref<!tpu.dma_semaphore, #tpu.memory_space<semaphore_mem>>)
    %get3A_88 = arith.constant 144 : index
    %get3A_89 = tpu.vector_load %arg5[%get3A_88] {strides = array<i32>} : memref<512xi32, #tpu.memory_space<vmem>>, vector<16xi32>,
    %get3A_90 = vector.shape_cast %get3A_89 : vector<16xi32> to vector<16xi32>
    %dma_start3A_91 = arith.constant 144 : i32
    %dma_start3A_92 = arith.constant 0 : i32
    %dma_start3A_93 = tpu.memref_slice %arg6[%dma_start3A_91, %dma_start3A_92] : memref<512x128xf32, #tpu.memory_space<vmem>> -> memref<16x128xf32, #tpu.memory_space<vmem>>
    %dma_start3A_94 = arith.constant 0 : i32
    %dma_start3A_95 = arith.constant 0 : i32
    %dma_start3A_96 = tpu.memref_slice %arg3[%dma_start3A_94, %dma_start3A_95] : memref<51200x128xf32, #tpu.memory_space<hbm>> -> memref<51200x128xf32, #tpu.memory_space<hbm>>
    tpu.enqueue_indirect_dma source(%dma_start3A_96 : memref<51200x128xf32, #tpu.memory_space<hbm>>) target(%dma_start3A_93 : memref<16x128xf32, #tpu.memory_space<vmem>>) offsets(%get3A_90 : vector<16xi32>) semaphore(%arg7 : memref<!tpu.dma_semaphore, #tpu.memory_space<semaphore_mem>>)
    %get3A_97 = arith.constant 160 : index
    %get3A_98 = tpu.vector_load %arg5[%get3A_97] {strides = array<i32>} : memref<512xi32, #tpu.memory_space<vmem>>, vector<16xi32>,
    %get3A_99 = vector.shape_cast %get3A_98 : vector<16xi32> to vector<16xi32>
    %dma_start3A_100 = arith.constant 160 : i32
    %dma_start3A_101 = arith.constant 0 : i32
    %dma_start3A_102 = tpu.memref_slice %arg6[%dma_start3A_100, %dma_start3A_101] : memref<512x128xf32, #tpu.memory_space<vmem>> -> memref<16x128xf32, #tpu.memory_space<vmem>>
    %dma_start3A_103 = arith.constant 0 : i32
    %dma_start3A_104 = arith.constant 0 : i32
    %dma_start3A_105 = tpu.memref_slice %arg3[%dma_start3A_103, %dma_start3A_104] : memref<51200x128xf32, #tpu.memory_space<hbm>> -> memref<51200x128xf32, #tpu.memory_space<hbm>>
    tpu.enqueue_indirect_dma source(%dma_start3A_105 : memref<51200x128xf32, #tpu.memory_space<hbm>>) target(%dma_start3A_102 : memref<16x128xf32, #tpu.memory_space<vmem>>) offsets(%get3A_99 : vector<16xi32>) semaphore(%arg7 : memref<!tpu.dma_semaphore, #tpu.memory_space<semaphore_mem>>)
    %get3A_106 = arith.constant 176 : index
    %get3A_107 = tpu.vector_load %arg5[%get3A_106] {strides = array<i32>} : memref<512xi32, #tpu.memory_space<vmem>>, vector<16xi32>,
    %get3A_108 = vector.shape_cast %get3A_107 : vector<16xi32> to vector<16xi32>
    %dma_start3A_109 = arith.constant 176 : i32
    %dma_start3A_110 = arith.constant 0 : i32
    %dma_start3A_111 = tpu.memref_slice %arg6[%dma_start3A_109, %dma_start3A_110] : memref<512x128xf32, #tpu.memory_space<vmem>> -> memref<16x128xf32, #tpu.memory_space<vmem>>
    %dma_start3A_112 = arith.constant 0 : i32
    %dma_start3A_113 = arith.constant 0 : i32
    %dma_start3A_114 = tpu.memref_slice %arg3[%dma_start3A_112, %dma_start3A_113] : memref<51200x128xf32, #tpu.memory_space<hbm>> -> memref<51200x128xf32, #tpu.memory_space<hbm>>
    tpu.enqueue_indirect_dma source(%dma_start3A_114 : memref<51200x128xf32, #tpu.memory_space<hbm>>) target(%dma_start3A_111 : memref<16x128xf32, #tpu.memory_space<vmem>>) offsets(%get3A_108 : vector<16xi32>) semaphore(%arg7 : memref<!tpu.dma_semaphore, #tpu.memory_space<semaphore_mem>>)
    %get3A_115 = arith.constant 192 : index
    %get3A_116 = tpu.vector_load %arg5[%get3A_115] {strides = array<i32>} : memref<512xi32, #tpu.memory_space<vmem>>, vector<16xi32>,
    %get3A_117 = vector.shape_cast %get3A_116 : vector<16xi32> to vector<16xi32>
    %dma_start3A_118 = arith.constant 192 : i32
    %dma_start3A_119 = arith.constant 0 : i32
    %dma_start3A_120 = tpu.memref_slice %arg6[%dma_start3A_118, %dma_start3A_119] : memref<512x128xf32, #tpu.memory_space<vmem>> -> memref<16x128xf32, #tpu.memory_space<vmem>>
    %dma_start3A_121 = arith.constant 0 : i32
    %dma_start3A_122 = arith.constant 0 : i32
    %dma_start3A_123 = tpu.memref_slice %arg3[%dma_start3A_121, %dma_start3A_122] : memref<51200x128xf32, #tpu.memory_space<hbm>> -> memref<51200x128xf32, #tpu.memory_space<hbm>>
    tpu.enqueue_indirect_dma source(%dma_start3A_123 : memref<51200x128xf32, #tpu.memory_space<hbm>>) target(%dma_start3A_120 : memref<16x128xf32, #tpu.memory_space<vmem>>) offsets(%get3A_117 : vector<16xi32>) semaphore(%arg7 : memref<!tpu.dma_semaphore, #tpu.memory_space<semaphore_mem>>)
    %get3A_124 = arith.constant 208 : index
    %get3A_125 = tpu.vector_load %arg5[%get3A_124] {strides = array<i32>} : memref<512xi32, #tpu.memory_space<vmem>>, vector<16xi32>,
    %get3A_126 = vector.shape_cast %get3A_125 : vector<16xi32> to vector<16xi32>
    %dma_start3A_127 = arith.constant 208 : i32
    %dma_start3A_128 = arith.constant 0 : i32
    %dma_start3A_129 = tpu.memref_slice %arg6[%dma_start3A_127, %dma_start3A_128] : memref<512x128xf32, #tpu.memory_space<vmem>> -> memref<16x128xf32, #tpu.memory_space<vmem>>
    %dma_start3A_130 = arith.constant 0 : i32
    %dma_start3A_131 = arith.constant 0 : i32
    %dma_start3A_132 = tpu.memref_slice %arg3[%dma_start3A_130, %dma_start3A_131] : memref<51200x128xf32, #tpu.memory_space<hbm>> -> memref<51200x128xf32, #tpu.memory_space<hbm>>
    tpu.enqueue_indirect_dma source(%dma_start3A_132 : memref<51200x128xf32, #tpu.memory_space<hbm>>) target(%dma_start3A_129 : memref<16x128xf32, #tpu.memory_space<vmem>>) offsets(%get3A_126 : vector<16xi32>) semaphore(%arg7 : memref<!tpu.dma_semaphore, #tpu.memory_space<semaphore_mem>>)
    %get3A_133 = arith.constant 224 : index
    %get3A_134 = tpu.vector_load %arg5[%get3A_133] {strides = array<i32>} : memref<512xi32, #tpu.memory_space<vmem>>, vector<16xi32>,
    %get3A_135 = vector.shape_cast %get3A_134 : vector<16xi32> to vector<16xi32>
    %dma_start3A_136 = arith.constant 224 : i32
    %dma_start3A_137 = arith.constant 0 : i32
    %dma_start3A_138 = tpu.memref_slice %arg6[%dma_start3A_136, %dma_start3A_137] : memref<512x128xf32, #tpu.memory_space<vmem>> -> memref<16x128xf32, #tpu.memory_space<vmem>>
    %dma_start3A_139 = arith.constant 0 : i32
    %dma_start3A_140 = arith.constant 0 : i32
    %dma_start3A_141 = tpu.memref_slice %arg3[%dma_start3A_139, %dma_start3A_140] : memref<51200x128xf32, #tpu.memory_space<hbm>> -> memref<51200x128xf32, #tpu.memory_space<hbm>>
    tpu.enqueue_indirect_dma source(%dma_start3A_141 : memref<51200x128xf32, #tpu.memory_space<hbm>>) target(%dma_start3A_138 : memref<16x128xf32, #tpu.memory_space<vmem>>) offsets(%get3A_135 : vector<16xi32>) semaphore(%arg7 : memref<!tpu.dma_semaphore, #tpu.memory_space<semaphore_mem>>)
    %get3A_142 = arith.constant 240 : index
    %get3A_143 = tpu.vector_load %arg5[%get3A_142] {strides = array<i32>} : memref<512xi32, #tpu.memory_space<vmem>>, vector<16xi32>,
    %get3A_144 = vector.shape_cast %get3A_143 : vector<16xi32> to vector<16xi32>
    %dma_start3A_145 = arith.constant 240 : i32
    %dma_start3A_146 = arith.constant 0 : i32
    %dma_start3A_147 = tpu.memref_slice %arg6[%dma_start3A_145, %dma_start3A_146] : memref<512x128xf32, #tpu.memory_space<vmem>> -> memref<16x128xf32, #tpu.memory_space<vmem>>
    %dma_start3A_148 = arith.constant 0 : i32
    %dma_start3A_149 = arith.constant 0 : i32
    %dma_start3A_150 = tpu.memref_slice %arg3[%dma_start3A_148, %dma_start3A_149] : memref<51200x128xf32, #tpu.memory_space<hbm>> -> memref<51200x128xf32, #tpu.memory_space<hbm>>
    tpu.enqueue_indirect_dma source(%dma_start3A_150 : memref<51200x128xf32, #tpu.memory_space<hbm>>) target(%dma_start3A_147 : memref<16x128xf32, #tpu.memory_space<vmem>>) offsets(%get3A_144 : vector<16xi32>) semaphore(%arg7 : memref<!tpu.dma_semaphore, #tpu.memory_space<semaphore_mem>>)
    %get3A_151 = arith.constant 256 : index
    %get3A_152 = tpu.vector_load %arg5[%get3A_151] {strides = array<i32>} : memref<512xi32, #tpu.memory_space<vmem>>, vector<16xi32>,
    %get3A_153 = vector.shape_cast %get3A_152 : vector<16xi32> to vector<16xi32>
    %dma_start3A_154 = arith.constant 256 : i32
    %dma_start3A_155 = arith.constant 0 : i32
    %dma_start3A_156 = tpu.memref_slice %arg6[%dma_start3A_154, %dma_start3A_155] : memref<512x128xf32, #tpu.memory_space<vmem>> -> memref<16x128xf32, #tpu.memory_space<vmem>>
    %dma_start3A_157 = arith.constant 0 : i32
    %dma_start3A_158 = arith.constant 0 : i32
    %dma_start3A_159 = tpu.memref_slice %arg3[%dma_start3A_157, %dma_start3A_158] : memref<51200x128xf32, #tpu.memory_space<hbm>> -> memref<51200x128xf32, #tpu.memory_space<hbm>>
    tpu.enqueue_indirect_dma source(%dma_start3A_159 : memref<51200x128xf32, #tpu.memory_space<hbm>>) target(%dma_start3A_156 : memref<16x128xf32, #tpu.memory_space<vmem>>) offsets(%get3A_153 : vector<16xi32>) semaphore(%arg7 : memref<!tpu.dma_semaphore, #tpu.memory_space<semaphore_mem>>)
    %get3A_160 = arith.constant 272 : index
    %get3A_161 = tpu.vector_load %arg5[%get3A_160] {strides = array<i32>} : memref<512xi32, #tpu.memory_space<vmem>>, vector<16xi32>,
    %get3A_162 = vector.shape_cast %get3A_161 : vector<16xi32> to vector<16xi32>
    %dma_start3A_163 = arith.constant 272 : i32
    %dma_start3A_164 = arith.constant 0 : i32
    %dma_start3A_165 = tpu.memref_slice %arg6[%dma_start3A_163, %dma_start3A_164] : memref<512x128xf32, #tpu.memory_space<vmem>> -> memref<16x128xf32, #tpu.memory_space<vmem>>
    %dma_start3A_166 = arith.constant 0 : i32
    %dma_start3A_167 = arith.constant 0 : i32
    %dma_start3A_168 = tpu.memref_slice %arg3[%dma_start3A_166, %dma_start3A_167] : memref<51200x128xf32, #tpu.memory_space<hbm>> -> memref<51200x128xf32, #tpu.memory_space<hbm>>
    tpu.enqueue_indirect_dma source(%dma_start3A_168 : memref<51200x128xf32, #tpu.memory_space<hbm>>) target(%dma_start3A_165 : memref<16x128xf32, #tpu.memory_space<vmem>>) offsets(%get3A_162 : vector<16xi32>) semaphore(%arg7 : memref<!tpu.dma_semaphore, #tpu.memory_space<semaphore_mem>>)
    %get3A_169 = arith.constant 288 : index
    %get3A_170 = tpu.vector_load %arg5[%get3A_169] {strides = array<i32>} : memref<512xi32, #tpu.memory_space<vmem>>, vector<16xi32>,
    %get3A_171 = vector.shape_cast %get3A_170 : vector<16xi32> to vector<16xi32>
    %dma_start3A_172 = arith.constant 288 : i32
    %dma_start3A_173 = arith.constant 0 : i32
    %dma_start3A_174 = tpu.memref_slice %arg6[%dma_start3A_172, %dma_start3A_173] : memref<512x128xf32, #tpu.memory_space<vmem>> -> memref<16x128xf32, #tpu.memory_space<vmem>>
    %dma_start3A_175 = arith.constant 0 : i32
    %dma_start3A_176 = arith.constant 0 : i32
    %dma_start3A_177 = tpu.memref_slice %arg3[%dma_start3A_175, %dma_start3A_176] : memref<51200x128xf32, #tpu.memory_space<hbm>> -> memref<51200x128xf32, #tpu.memory_space<hbm>>
    tpu.enqueue_indirect_dma source(%dma_start3A_177 : memref<51200x128xf32, #tpu.memory_space<hbm>>) target(%dma_start3A_174 : memref<16x128xf32, #tpu.memory_space<vmem>>) offsets(%get3A_171 : vector<16xi32>) semaphore(%arg7 : memref<!tpu.dma_semaphore, #tpu.memory_space<semaphore_mem>>)
    %get3A_178 = arith.constant 304 : index
    %get3A_179 = tpu.vector_load %arg5[%get3A_178] {strides = array<i32>} : memref<512xi32, #tpu.memory_space<vmem>>, vector<16xi32>,
    %get3A_180 = vector.shape_cast %get3A_179 : vector<16xi32> to vector<16xi32>
    %dma_start3A_181 = arith.constant 304 : i32
    %dma_start3A_182 = arith.constant 0 : i32
    %dma_start3A_183 = tpu.memref_slice %arg6[%dma_start3A_181, %dma_start3A_182] : memref<512x128xf32, #tpu.memory_space<vmem>> -> memref<16x128xf32, #tpu.memory_space<vmem>>
    %dma_start3A_184 = arith.constant 0 : i32
    %dma_start3A_185 = arith.constant 0 : i32
    %dma_start3A_186 = tpu.memref_slice %arg3[%dma_start3A_184, %dma_start3A_185] : memref<51200x128xf32, #tpu.memory_space<hbm>> -> memref<51200x128xf32, #tpu.memory_space<hbm>>
    tpu.enqueue_indirect_dma source(%dma_start3A_186 : memref<51200x128xf32, #tpu.memory_space<hbm>>) target(%dma_start3A_183 : memref<16x128xf32, #tpu.memory_space<vmem>>) offsets(%get3A_180 : vector<16xi32>) semaphore(%arg7 : memref<!tpu.dma_semaphore, #tpu.memory_space<semaphore_mem>>)
    %get3A_187 = arith.constant 320 : index
    %get3A_188 = tpu.vector_load %arg5[%get3A_187] {strides = array<i32>} : memref<512xi32, #tpu.memory_space<vmem>>, vector<16xi32>,
    %get3A_189 = vector.shape_cast %get3A_188 : vector<16xi32> to vector<16xi32>
    %dma_start3A_190 = arith.constant 320 : i32
    %dma_start3A_191 = arith.constant 0 : i32
    %dma_start3A_192 = tpu.memref_slice %arg6[%dma_start3A_190, %dma_start3A_191] : memref<512x128xf32, #tpu.memory_space<vmem>> -> memref<16x128xf32, #tpu.memory_space<vmem>>
    %dma_start3A_193 = arith.constant 0 : i32
    %dma_start3A_194 = arith.constant 0 : i32
    %dma_start3A_195 = tpu.memref_slice %arg3[%dma_start3A_193, %dma_start3A_194] : memref<51200x128xf32, #tpu.memory_space<hbm>> -> memref<51200x128xf32, #tpu.memory_space<hbm>>
    tpu.enqueue_indirect_dma source(%dma_start3A_195 : memref<51200x128xf32, #tpu.memory_space<hbm>>) target(%dma_start3A_192 : memref<16x128xf32, #tpu.memory_space<vmem>>) offsets(%get3A_189 : vector<16xi32>) semaphore(%arg7 : memref<!tpu.dma_semaphore, #tpu.memory_space<semaphore_mem>>)
    %get3A_196 = arith.constant 336 : index
    %get3A_197 = tpu.vector_load %arg5[%get3A_196] {strides = array<i32>} : memref<512xi32, #tpu.memory_space<vmem>>, vector<16xi32>,
    %get3A_198 = vector.shape_cast %get3A_197 : vector<16xi32> to vector<16xi32>
    %dma_start3A_199 = arith.constant 336 : i32
    %dma_start3A_200 = arith.constant 0 : i32
    %dma_start3A_201 = tpu.memref_slice %arg6[%dma_start3A_199, %dma_start3A_200] : memref<512x128xf32, #tpu.memory_space<vmem>> -> memref<16x128xf32, #tpu.memory_space<vmem>>
    %dma_start3A_202 = arith.constant 0 : i32
    %dma_start3A_203 = arith.constant 0 : i32
    %dma_start3A_204 = tpu.memref_slice %arg3[%dma_start3A_202, %dma_start3A_203] : memref<51200x128xf32, #tpu.memory_space<hbm>> -> memref<51200x128xf32, #tpu.memory_space<hbm>>
    tpu.enqueue_indirect_dma source(%dma_start3A_204 : memref<51200x128xf32, #tpu.memory_space<hbm>>) target(%dma_start3A_201 : memref<16x128xf32, #tpu.memory_space<vmem>>) offsets(%get3A_198 : vector<16xi32>) semaphore(%arg7 : memref<!tpu.dma_semaphore, #tpu.memory_space<semaphore_mem>>)
    %get3A_205 = arith.constant 352 : index
    %get3A_206 = tpu.vector_load %arg5[%get3A_205] {strides = array<i32>} : memref<512xi32, #tpu.memory_space<vmem>>, vector<16xi32>,
    %get3A_207 = vector.shape_cast %get3A_206 : vector<16xi32> to vector<16xi32>
    %dma_start3A_208 = arith.constant 352 : i32
    %dma_start3A_209 = arith.constant 0 : i32
    %dma_start3A_210 = tpu.memref_slice %arg6[%dma_start3A_208, %dma_start3A_209] : memref<512x128xf32, #tpu.memory_space<vmem>> -> memref<16x128xf32, #tpu.memory_space<vmem>>
    %dma_start3A_211 = arith.constant 0 : i32
    %dma_start3A_212 = arith.constant 0 : i32
    %dma_start3A_213 = tpu.memref_slice %arg3[%dma_start3A_211, %dma_start3A_212] : memref<51200x128xf32, #tpu.memory_space<hbm>> -> memref<51200x128xf32, #tpu.memory_space<hbm>>
    tpu.enqueue_indirect_dma source(%dma_start3A_213 : memref<51200x128xf32, #tpu.memory_space<hbm>>) target(%dma_start3A_210 : memref<16x128xf32, #tpu.memory_space<vmem>>) offsets(%get3A_207 : vector<16xi32>) semaphore(%arg7 : memref<!tpu.dma_semaphore, #tpu.memory_space<semaphore_mem>>)
    %get3A_214 = arith.constant 368 : index
    %get3A_215 = tpu.vector_load %arg5[%get3A_214] {strides = array<i32>} : memref<512xi32, #tpu.memory_space<vmem>>, vector<16xi32>,
    %get3A_216 = vector.shape_cast %get3A_215 : vector<16xi32> to vector<16xi32>
    %dma_start3A_217 = arith.constant 368 : i32
    %dma_start3A_218 = arith.constant 0 : i32
    %dma_start3A_219 = tpu.memref_slice %arg6[%dma_start3A_217, %dma_start3A_218] : memref<512x128xf32, #tpu.memory_space<vmem>> -> memref<16x128xf32, #tpu.memory_space<vmem>>
    %dma_start3A_220 = arith.constant 0 : i32
    %dma_start3A_221 = arith.constant 0 : i32
    %dma_start3A_222 = tpu.memref_slice %arg3[%dma_start3A_220, %dma_start3A_221] : memref<51200x128xf32, #tpu.memory_space<hbm>> -> memref<51200x128xf32, #tpu.memory_space<hbm>>
    tpu.enqueue_indirect_dma source(%dma_start3A_222 : memref<51200x128xf32, #tpu.memory_space<hbm>>) target(%dma_start3A_219 : memref<16x128xf32, #tpu.memory_space<vmem>>) offsets(%get3A_216 : vector<16xi32>) semaphore(%arg7 : memref<!tpu.dma_semaphore, #tpu.memory_space<semaphore_mem>>)
    %get3A_223 = arith.constant 384 : index
    %get3A_224 = tpu.vector_load %arg5[%get3A_223] {strides = array<i32>} : memref<512xi32, #tpu.memory_space<vmem>>, vector<16xi32>,
    %get3A_225 = vector.shape_cast %get3A_224 : vector<16xi32> to vector<16xi32>
    %dma_start3A_226 = arith.constant 384 : i32
    %dma_start3A_227 = arith.constant 0 : i32
    %dma_start3A_228 = tpu.memref_slice %arg6[%dma_start3A_226, %dma_start3A_227] : memref<512x128xf32, #tpu.memory_space<vmem>> -> memref<16x128xf32, #tpu.memory_space<vmem>>
    %dma_start3A_229 = arith.constant 0 : i32
    %dma_start3A_230 = arith.constant 0 : i32
    %dma_start3A_231 = tpu.memref_slice %arg3[%dma_start3A_229, %dma_start3A_230] : memref<51200x128xf32, #tpu.memory_space<hbm>> -> memref<51200x128xf32, #tpu.memory_space<hbm>>
    tpu.enqueue_indirect_dma source(%dma_start3A_231 : memref<51200x128xf32, #tpu.memory_space<hbm>>) target(%dma_start3A_228 : memref<16x128xf32, #tpu.memory_space<vmem>>) offsets(%get3A_225 : vector<16xi32>) semaphore(%arg7 : memref<!tpu.dma_semaphore, #tpu.memory_space<semaphore_mem>>)
    %get3A_232 = arith.constant 400 : index
    %get3A_233 = tpu.vector_load %arg5[%get3A_232] {strides = array<i32>} : memref<512xi32, #tpu.memory_space<vmem>>, vector<16xi32>,
    %get3A_234 = vector.shape_cast %get3A_233 : vector<16xi32> to vector<16xi32>
    %dma_start3A_235 = arith.constant 400 : i32
    %dma_start3A_236 = arith.constant 0 : i32
    %dma_start3A_237 = tpu.memref_slice %arg6[%dma_start3A_235, %dma_start3A_236] : memref<512x128xf32, #tpu.memory_space<vmem>> -> memref<16x128xf32, #tpu.memory_space<vmem>>
    %dma_start3A_238 = arith.constant 0 : i32
    %dma_start3A_239 = arith.constant 0 : i32
    %dma_start3A_240 = tpu.memref_slice %arg3[%dma_start3A_238, %dma_start3A_239] : memref<51200x128xf32, #tpu.memory_space<hbm>> -> memref<51200x128xf32, #tpu.memory_space<hbm>>
    tpu.enqueue_indirect_dma source(%dma_start3A_240 : memref<51200x128xf32, #tpu.memory_space<hbm>>) target(%dma_start3A_237 : memref<16x128xf32, #tpu.memory_space<vmem>>) offsets(%get3A_234 : vector<16xi32>) semaphore(%arg7 : memref<!tpu.dma_semaphore, #tpu.memory_space<semaphore_mem>>)
    %get3A_241 = arith.constant 416 : index
    %get3A_242 = tpu.vector_load %arg5[%get3A_241] {strides = array<i32>} : memref<512xi32, #tpu.memory_space<vmem>>, vector<16xi32>,
    %get3A_243 = vector.shape_cast %get3A_242 : vector<16xi32> to vector<16xi32>
    %dma_start3A_244 = arith.constant 416 : i32
    %dma_start3A_245 = arith.constant 0 : i32
    %dma_start3A_246 = tpu.memref_slice %arg6[%dma_start3A_244, %dma_start3A_245] : memref<512x128xf32, #tpu.memory_space<vmem>> -> memref<16x128xf32, #tpu.memory_space<vmem>>
    %dma_start3A_247 = arith.constant 0 : i32
    %dma_start3A_248 = arith.constant 0 : i32
    %dma_start3A_249 = tpu.memref_slice %arg3[%dma_start3A_247, %dma_start3A_248] : memref<51200x128xf32, #tpu.memory_space<hbm>> -> memref<51200x128xf32, #tpu.memory_space<hbm>>
    tpu.enqueue_indirect_dma source(%dma_start3A_249 : memref<51200x128xf32, #tpu.memory_space<hbm>>) target(%dma_start3A_246 : memref<16x128xf32, #tpu.memory_space<vmem>>) offsets(%get3A_243 : vector<16xi32>) semaphore(%arg7 : memref<!tpu.dma_semaphore, #tpu.memory_space<semaphore_mem>>)
    %get3A_250 = arith.constant 432 : index
    %get3A_251 = tpu.vector_load %arg5[%get3A_250] {strides = array<i32>} : memref<512xi32, #tpu.memory_space<vmem>>, vector<16xi32>,
    %get3A_252 = vector.shape_cast %get3A_251 : vector<16xi32> to vector<16xi32>
    %dma_start3A_253 = arith.constant 432 : i32
    %dma_start3A_254 = arith.constant 0 : i32
    %dma_start3A_255 = tpu.memref_slice %arg6[%dma_start3A_253, %dma_start3A_254] : memref<512x128xf32, #tpu.memory_space<vmem>> -> memref<16x128xf32, #tpu.memory_space<vmem>>
    %dma_start3A_256 = arith.constant 0 : i32
    %dma_start3A_257 = arith.constant 0 : i32
    %dma_start3A_258 = tpu.memref_slice %arg3[%dma_start3A_256, %dma_start3A_257] : memref<51200x128xf32, #tpu.memory_space<hbm>> -> memref<51200x128xf32, #tpu.memory_space<hbm>>
    tpu.enqueue_indirect_dma source(%dma_start3A_258 : memref<51200x128xf32, #tpu.memory_space<hbm>>) target(%dma_start3A_255 : memref<16x128xf32, #tpu.memory_space<vmem>>) offsets(%get3A_252 : vector<16xi32>) semaphore(%arg7 : memref<!tpu.dma_semaphore, #tpu.memory_space<semaphore_mem>>)
    %get3A_259 = arith.constant 448 : index
    %get3A_260 = tpu.vector_load %arg5[%get3A_259] {strides = array<i32>} : memref<512xi32, #tpu.memory_space<vmem>>, vector<16xi32>,
    %get3A_261 = vector.shape_cast %get3A_260 : vector<16xi32> to vector<16xi32>
    %dma_start3A_262 = arith.constant 448 : i32
    %dma_start3A_263 = arith.constant 0 : i32
    %dma_start3A_264 = tpu.memref_slice %arg6[%dma_start3A_262, %dma_start3A_263] : memref<512x128xf32, #tpu.memory_space<vmem>> -> memref<16x128xf32, #tpu.memory_space<vmem>>
    %dma_start3A_265 = arith.constant 0 : i32
    %dma_start3A_266 = arith.constant 0 : i32
    %dma_start3A_267 = tpu.memref_slice %arg3[%dma_start3A_265, %dma_start3A_266] : memref<51200x128xf32, #tpu.memory_space<hbm>> -> memref<51200x128xf32, #tpu.memory_space<hbm>>
    tpu.enqueue_indirect_dma source(%dma_start3A_267 : memref<51200x128xf32, #tpu.memory_space<hbm>>) target(%dma_start3A_264 : memref<16x128xf32, #tpu.memory_space<vmem>>) offsets(%get3A_261 : vector<16xi32>) semaphore(%arg7 : memref<!tpu.dma_semaphore, #tpu.memory_space<semaphore_mem>>)
    %get3A_268 = arith.constant 464 : index
    %get3A_269 = tpu.vector_load %arg5[%get3A_268] {strides = array<i32>} : memref<512xi32, #tpu.memory_space<vmem>>, vector<16xi32>,
    %get3A_270 = vector.shape_cast %get3A_269 : vector<16xi32> to vector<16xi32>
    %dma_start3A_271 = arith.constant 464 : i32
    %dma_start3A_272 = arith.constant 0 : i32
    %dma_start3A_273 = tpu.memref_slice %arg6[%dma_start3A_271, %dma_start3A_272] : memref<512x128xf32, #tpu.memory_space<vmem>> -> memref<16x128xf32, #tpu.memory_space<vmem>>
    %dma_start3A_274 = arith.constant 0 : i32
    %dma_start3A_275 = arith.constant 0 : i32
    %dma_start3A_276 = tpu.memref_slice %arg3[%dma_start3A_274, %dma_start3A_275] : memref<51200x128xf32, #tpu.memory_space<hbm>> -> memref<51200x128xf32, #tpu.memory_space<hbm>>
    tpu.enqueue_indirect_dma source(%dma_start3A_276 : memref<51200x128xf32, #tpu.memory_space<hbm>>) target(%dma_start3A_273 : memref<16x128xf32, #tpu.memory_space<vmem>>) offsets(%get3A_270 : vector<16xi32>) semaphore(%arg7 : memref<!tpu.dma_semaphore, #tpu.memory_space<semaphore_mem>>)
    %get3A_277 = arith.constant 480 : index
    %get3A_278 = tpu.vector_load %arg5[%get3A_277] {strides = array<i32>} : memref<512xi32, #tpu.memory_space<vmem>>, vector<16xi32>,
    %get3A_279 = vector.shape_cast %get3A_278 : vector<16xi32> to vector<16xi32>
    %dma_start3A_280 = arith.constant 480 : i32
    %dma_start3A_281 = arith.constant 0 : i32
    %dma_start3A_282 = tpu.memref_slice %arg6[%dma_start3A_280, %dma_start3A_281] : memref<512x128xf32, #tpu.memory_space<vmem>> -> memref<16x128xf32, #tpu.memory_space<vmem>>
    %dma_start3A_283 = arith.constant 0 : i32
    %dma_start3A_284 = arith.constant 0 : i32
    %dma_start3A_285 = tpu.memref_slice %arg3[%dma_start3A_283, %dma_start3A_284] : memref<51200x128xf32, #tpu.memory_space<hbm>> -> memref<51200x128xf32, #tpu.memory_space<hbm>>
    tpu.enqueue_indirect_dma source(%dma_start3A_285 : memref<51200x128xf32, #tpu.memory_space<hbm>>) target(%dma_start3A_282 : memref<16x128xf32, #tpu.memory_space<vmem>>) offsets(%get3A_279 : vector<16xi32>) semaphore(%arg7 : memref<!tpu.dma_semaphore, #tpu.memory_space<semaphore_mem>>)
    %get3A_286 = arith.constant 496 : index
    %get3A_287 = tpu.vector_load %arg5[%get3A_286] {strides = array<i32>} : memref<512xi32, #tpu.memory_space<vmem>>, vector<16xi32>,
    %get3A_288 = vector.shape_cast %get3A_287 : vector<16xi32> to vector<16xi32>
    %dma_start3A_289 = arith.constant 496 : i32
    %dma_start3A_290 = arith.constant 0 : i32
    %dma_start3A_291 = tpu.memref_slice %arg6[%dma_start3A_289, %dma_start3A_290] : memref<512x128xf32, #tpu.memory_space<vmem>> -> memref<16x128xf32, #tpu.memory_space<vmem>>
    %dma_start3A_292 = arith.constant 0 : i32
    %dma_start3A_293 = arith.constant 0 : i32
    %dma_start3A_294 = tpu.memref_slice %arg3[%dma_start3A_292, %dma_start3A_293] : memref<51200x128xf32, #tpu.memory_space<hbm>> -> memref<51200x128xf32, #tpu.memory_space<hbm>>
    tpu.enqueue_indirect_dma source(%dma_start3A_294 : memref<51200x128xf32, #tpu.memory_space<hbm>>) target(%dma_start3A_291 : memref<16x128xf32, #tpu.memory_space<vmem>>) offsets(%get3A_288 : vector<16xi32>) semaphore(%arg7 : memref<!tpu.dma_semaphore, #tpu.memory_space<semaphore_mem>>)
    %dma_wait3A = arith.constant 0 : i32
    %dma_wait3A_295 = arith.constant 0 : i32
    %dma_wait3A_296 = tpu.memref_slice %arg6[%dma_wait3A, %dma_wait3A_295] : memref<512x128xf32, #tpu.memory_space<vmem>> -> memref<16x128xf32, #tpu.memory_space<vmem>>
    %dma_wait3A_297 = arith.constant 0 : i32
    %dma_wait3A_298 = arith.constant 0 : i32
    %dma_wait3A_299 = tpu.memref_slice %arg3[%dma_wait3A_297, %dma_wait3A_298] : memref<51200x128xf32, #tpu.memory_space<hbm>> -> memref<51200x128xf32, #tpu.memory_space<hbm>>
    tpu.wait_indirect_dma semaphore(%arg7 : memref<!tpu.dma_semaphore, #tpu.memory_space<semaphore_mem>>) src(%dma_wait3A_299 : memref<51200x128xf32, #tpu.memory_space<hbm>>) dst(%dma_wait3A_296 : memref<16x128xf32, #tpu.memory_space<vmem>>)
    %dma_wait3A_300 = arith.constant 16 : i32
    %dma_wait3A_301 = arith.constant 0 : i32
    %dma_wait3A_302 = tpu.memref_slice %arg6[%dma_wait3A_300, %dma_wait3A_301] : memref<512x128xf32, #tpu.memory_space<vmem>> -> memref<16x128xf32, #tpu.memory_space<vmem>>
    %dma_wait3A_303 = arith.constant 0 : i32
    %dma_wait3A_304 = arith.constant 0 : i32
    %dma_wait3A_305 = tpu.memref_slice %arg3[%dma_wait3A_303, %dma_wait3A_304] : memref<51200x128xf32, #tpu.memory_space<hbm>> -> memref<51200x128xf32, #tpu.memory_space<hbm>>
    tpu.wait_indirect_dma semaphore(%arg7 : memref<!tpu.dma_semaphore, #tpu.memory_space<semaphore_mem>>) src(%dma_wait3A_305 : memref<51200x128xf32, #tpu.memory_space<hbm>>) dst(%dma_wait3A_302 : memref<16x128xf32, #tpu.memory_space<vmem>>)
    %dma_wait3A_306 = arith.constant 32 : i32
    %dma_wait3A_307 = arith.constant 0 : i32
    %dma_wait3A_308 = tpu.memref_slice %arg6[%dma_wait3A_306, %dma_wait3A_307] : memref<512x128xf32, #tpu.memory_space<vmem>> -> memref<16x128xf32, #tpu.memory_space<vmem>>
    %dma_wait3A_309 = arith.constant 0 : i32
    %dma_wait3A_310 = arith.constant 0 : i32
    %dma_wait3A_311 = tpu.memref_slice %arg3[%dma_wait3A_309, %dma_wait3A_310] : memref<51200x128xf32, #tpu.memory_space<hbm>> -> memref<51200x128xf32, #tpu.memory_space<hbm>>
    tpu.wait_indirect_dma semaphore(%arg7 : memref<!tpu.dma_semaphore, #tpu.memory_space<semaphore_mem>>) src(%dma_wait3A_311 : memref<51200x128xf32, #tpu.memory_space<hbm>>) dst(%dma_wait3A_308 : memref<16x128xf32, #tpu.memory_space<vmem>>)
    %dma_wait3A_312 = arith.constant 48 : i32
    %dma_wait3A_313 = arith.constant 0 : i32
    %dma_wait3A_314 = tpu.memref_slice %arg6[%dma_wait3A_312, %dma_wait3A_313] : memref<512x128xf32, #tpu.memory_space<vmem>> -> memref<16x128xf32, #tpu.memory_space<vmem>>
    %dma_wait3A_315 = arith.constant 0 : i32
    %dma_wait3A_316 = arith.constant 0 : i32
    %dma_wait3A_317 = tpu.memref_slice %arg3[%dma_wait3A_315, %dma_wait3A_316] : memref<51200x128xf32, #tpu.memory_space<hbm>> -> memref<51200x128xf32, #tpu.memory_space<hbm>>
    tpu.wait_indirect_dma semaphore(%arg7 : memref<!tpu.dma_semaphore, #tpu.memory_space<semaphore_mem>>) src(%dma_wait3A_317 : memref<51200x128xf32, #tpu.memory_space<hbm>>) dst(%dma_wait3A_314 : memref<16x128xf32, #tpu.memory_space<vmem>>)
    %dma_wait3A_318 = arith.constant 64 : i32
    %dma_wait3A_319 = arith.constant 0 : i32
    %dma_wait3A_320 = tpu.memref_slice %arg6[%dma_wait3A_318, %dma_wait3A_319] : memref<512x128xf32, #tpu.memory_space<vmem>> -> memref<16x128xf32, #tpu.memory_space<vmem>>
    %dma_wait3A_321 = arith.constant 0 : i32
    %dma_wait3A_322 = arith.constant 0 : i32
    %dma_wait3A_323 = tpu.memref_slice %arg3[%dma_wait3A_321, %dma_wait3A_322] : memref<51200x128xf32, #tpu.memory_space<hbm>> -> memref<51200x128xf32, #tpu.memory_space<hbm>>
    tpu.wait_indirect_dma semaphore(%arg7 : memref<!tpu.dma_semaphore, #tpu.memory_space<semaphore_mem>>) src(%dma_wait3A_323 : memref<51200x128xf32, #tpu.memory_space<hbm>>) dst(%dma_wait3A_320 : memref<16x128xf32, #tpu.memory_space<vmem>>)
    %dma_wait3A_324 = arith.constant 80 : i32
    %dma_wait3A_325 = arith.constant 0 : i32
    %dma_wait3A_326 = tpu.memref_slice %arg6[%dma_wait3A_324, %dma_wait3A_325] : memref<512x128xf32, #tpu.memory_space<vmem>> -> memref<16x128xf32, #tpu.memory_space<vmem>>
    %dma_wait3A_327 = arith.constant 0 : i32
    %dma_wait3A_328 = arith.constant 0 : i32
    %dma_wait3A_329 = tpu.memref_slice %arg3[%dma_wait3A_327, %dma_wait3A_328] : memref<51200x128xf32, #tpu.memory_space<hbm>> -> memref<51200x128xf32, #tpu.memory_space<hbm>>
    tpu.wait_indirect_dma semaphore(%arg7 : memref<!tpu.dma_semaphore, #tpu.memory_space<semaphore_mem>>) src(%dma_wait3A_329 : memref<51200x128xf32, #tpu.memory_space<hbm>>) dst(%dma_wait3A_326 : memref<16x128xf32, #tpu.memory_space<vmem>>)
    %dma_wait3A_330 = arith.constant 96 : i32
    %dma_wait3A_331 = arith.constant 0 : i32
    %dma_wait3A_332 = tpu.memref_slice %arg6[%dma_wait3A_330, %dma_wait3A_331] : memref<512x128xf32, #tpu.memory_space<vmem>> -> memref<16x128xf32, #tpu.memory_space<vmem>>
    %dma_wait3A_333 = arith.constant 0 : i32
    %dma_wait3A_334 = arith.constant 0 : i32
    %dma_wait3A_335 = tpu.memref_slice %arg3[%dma_wait3A_333, %dma_wait3A_334] : memref<51200x128xf32, #tpu.memory_space<hbm>> -> memref<51200x128xf32, #tpu.memory_space<hbm>>
    tpu.wait_indirect_dma semaphore(%arg7 : memref<!tpu.dma_semaphore, #tpu.memory_space<semaphore_mem>>) src(%dma_wait3A_335 : memref<51200x128xf32, #tpu.memory_space<hbm>>) dst(%dma_wait3A_332 : memref<16x128xf32, #tpu.memory_space<vmem>>)
    %dma_wait3A_336 = arith.constant 112 : i32
    %dma_wait3A_337 = arith.constant 0 : i32
    %dma_wait3A_338 = tpu.memref_slice %arg6[%dma_wait3A_336, %dma_wait3A_337] : memref<512x128xf32, #tpu.memory_space<vmem>> -> memref<16x128xf32, #tpu.memory_space<vmem>>
    %dma_wait3A_339 = arith.constant 0 : i32
    %dma_wait3A_340 = arith.constant 0 : i32
    %dma_wait3A_341 = tpu.memref_slice %arg3[%dma_wait3A_339, %dma_wait3A_340] : memref<51200x128xf32, #tpu.memory_space<hbm>> -> memref<51200x128xf32, #tpu.memory_space<hbm>>
    tpu.wait_indirect_dma semaphore(%arg7 : memref<!tpu.dma_semaphore, #tpu.memory_space<semaphore_mem>>) src(%dma_wait3A_341 : memref<51200x128xf32, #tpu.memory_space<hbm>>) dst(%dma_wait3A_338 : memref<16x128xf32, #tpu.memory_space<vmem>>)
    %dma_wait3A_342 = arith.constant 128 : i32
    %dma_wait3A_343 = arith.constant 0 : i32
    %dma_wait3A_344 = tpu.memref_slice %arg6[%dma_wait3A_342, %dma_wait3A_343] : memref<512x128xf32, #tpu.memory_space<vmem>> -> memref<16x128xf32, #tpu.memory_space<vmem>>
    %dma_wait3A_345 = arith.constant 0 : i32
    %dma_wait3A_346 = arith.constant 0 : i32
    %dma_wait3A_347 = tpu.memref_slice %arg3[%dma_wait3A_345, %dma_wait3A_346] : memref<51200x128xf32, #tpu.memory_space<hbm>> -> memref<51200x128xf32, #tpu.memory_space<hbm>>
    tpu.wait_indirect_dma semaphore(%arg7 : memref<!tpu.dma_semaphore, #tpu.memory_space<semaphore_mem>>) src(%dma_wait3A_347 : memref<51200x128xf32, #tpu.memory_space<hbm>>) dst(%dma_wait3A_344 : memref<16x128xf32, #tpu.memory_space<vmem>>)
    %dma_wait3A_348 = arith.constant 144 : i32
    %dma_wait3A_349 = arith.constant 0 : i32
    %dma_wait3A_350 = tpu.memref_slice %arg6[%dma_wait3A_348, %dma_wait3A_349] : memref<512x128xf32, #tpu.memory_space<vmem>> -> memref<16x128xf32, #tpu.memory_space<vmem>>
    %dma_wait3A_351 = arith.constant 0 : i32
    %dma_wait3A_352 = arith.constant 0 : i32
    %dma_wait3A_353 = tpu.memref_slice %arg3[%dma_wait3A_351, %dma_wait3A_352] : memref<51200x128xf32, #tpu.memory_space<hbm>> -> memref<51200x128xf32, #tpu.memory_space<hbm>>
    tpu.wait_indirect_dma semaphore(%arg7 : memref<!tpu.dma_semaphore, #tpu.memory_space<semaphore_mem>>) src(%dma_wait3A_353 : memref<51200x128xf32, #tpu.memory_space<hbm>>) dst(%dma_wait3A_350 : memref<16x128xf32, #tpu.memory_space<vmem>>)
    %dma_wait3A_354 = arith.constant 160 : i32
    %dma_wait3A_355 = arith.constant 0 : i32
    %dma_wait3A_356 = tpu.memref_slice %arg6[%dma_wait3A_354, %dma_wait3A_355] : memref<512x128xf32, #tpu.memory_space<vmem>> -> memref<16x128xf32, #tpu.memory_space<vmem>>
    %dma_wait3A_357 = arith.constant 0 : i32
    %dma_wait3A_358 = arith.constant 0 : i32
    %dma_wait3A_359 = tpu.memref_slice %arg3[%dma_wait3A_357, %dma_wait3A_358] : memref<51200x128xf32, #tpu.memory_space<hbm>> -> memref<51200x128xf32, #tpu.memory_space<hbm>>
    tpu.wait_indirect_dma semaphore(%arg7 : memref<!tpu.dma_semaphore, #tpu.memory_space<semaphore_mem>>) src(%dma_wait3A_359 : memref<51200x128xf32, #tpu.memory_space<hbm>>) dst(%dma_wait3A_356 : memref<16x128xf32, #tpu.memory_space<vmem>>)
    %dma_wait3A_360 = arith.constant 176 : i32
    %dma_wait3A_361 = arith.constant 0 : i32
    %dma_wait3A_362 = tpu.memref_slice %arg6[%dma_wait3A_360, %dma_wait3A_361] : memref<512x128xf32, #tpu.memory_space<vmem>> -> memref<16x128xf32, #tpu.memory_space<vmem>>
    %dma_wait3A_363 = arith.constant 0 : i32
    %dma_wait3A_364 = arith.constant 0 : i32
    %dma_wait3A_365 = tpu.memref_slice %arg3[%dma_wait3A_363, %dma_wait3A_364] : memref<51200x128xf32, #tpu.memory_space<hbm>> -> memref<51200x128xf32, #tpu.memory_space<hbm>>
    tpu.wait_indirect_dma semaphore(%arg7 : memref<!tpu.dma_semaphore, #tpu.memory_space<semaphore_mem>>) src(%dma_wait3A_365 : memref<51200x128xf32, #tpu.memory_space<hbm>>) dst(%dma_wait3A_362 : memref<16x128xf32, #tpu.memory_space<vmem>>)
    %dma_wait3A_366 = arith.constant 192 : i32
    %dma_wait3A_367 = arith.constant 0 : i32
    %dma_wait3A_368 = tpu.memref_slice %arg6[%dma_wait3A_366, %dma_wait3A_367] : memref<512x128xf32, #tpu.memory_space<vmem>> -> memref<16x128xf32, #tpu.memory_space<vmem>>
    %dma_wait3A_369 = arith.constant 0 : i32
    %dma_wait3A_370 = arith.constant 0 : i32
    %dma_wait3A_371 = tpu.memref_slice %arg3[%dma_wait3A_369, %dma_wait3A_370] : memref<51200x128xf32, #tpu.memory_space<hbm>> -> memref<51200x128xf32, #tpu.memory_space<hbm>>
    tpu.wait_indirect_dma semaphore(%arg7 : memref<!tpu.dma_semaphore, #tpu.memory_space<semaphore_mem>>) src(%dma_wait3A_371 : memref<51200x128xf32, #tpu.memory_space<hbm>>) dst(%dma_wait3A_368 : memref<16x128xf32, #tpu.memory_space<vmem>>)
    %dma_wait3A_372 = arith.constant 208 : i32
    %dma_wait3A_373 = arith.constant 0 : i32
    %dma_wait3A_374 = tpu.memref_slice %arg6[%dma_wait3A_372, %dma_wait3A_373] : memref<512x128xf32, #tpu.memory_space<vmem>> -> memref<16x128xf32, #tpu.memory_space<vmem>>
    %dma_wait3A_375 = arith.constant 0 : i32
    %dma_wait3A_376 = arith.constant 0 : i32
    %dma_wait3A_377 = tpu.memref_slice %arg3[%dma_wait3A_375, %dma_wait3A_376] : memref<51200x128xf32, #tpu.memory_space<hbm>> -> memref<51200x128xf32, #tpu.memory_space<hbm>>
    tpu.wait_indirect_dma semaphore(%arg7 : memref<!tpu.dma_semaphore, #tpu.memory_space<semaphore_mem>>) src(%dma_wait3A_377 : memref<51200x128xf32, #tpu.memory_space<hbm>>) dst(%dma_wait3A_374 : memref<16x128xf32, #tpu.memory_space<vmem>>)
    %dma_wait3A_378 = arith.constant 224 : i32
    %dma_wait3A_379 = arith.constant 0 : i32
    %dma_wait3A_380 = tpu.memref_slice %arg6[%dma_wait3A_378, %dma_wait3A_379] : memref<512x128xf32, #tpu.memory_space<vmem>> -> memref<16x128xf32, #tpu.memory_space<vmem>>
    %dma_wait3A_381 = arith.constant 0 : i32
    %dma_wait3A_382 = arith.constant 0 : i32
    %dma_wait3A_383 = tpu.memref_slice %arg3[%dma_wait3A_381, %dma_wait3A_382] : memref<51200x128xf32, #tpu.memory_space<hbm>> -> memref<51200x128xf32, #tpu.memory_space<hbm>>
    tpu.wait_indirect_dma semaphore(%arg7 : memref<!tpu.dma_semaphore, #tpu.memory_space<semaphore_mem>>) src(%dma_wait3A_383 : memref<51200x128xf32, #tpu.memory_space<hbm>>) dst(%dma_wait3A_380 : memref<16x128xf32, #tpu.memory_space<vmem>>)
    %dma_wait3A_384 = arith.constant 240 : i32
    %dma_wait3A_385 = arith.constant 0 : i32
    %dma_wait3A_386 = tpu.memref_slice %arg6[%dma_wait3A_384, %dma_wait3A_385] : memref<512x128xf32, #tpu.memory_space<vmem>> -> memref<16x128xf32, #tpu.memory_space<vmem>>
    %dma_wait3A_387 = arith.constant 0 : i32
    %dma_wait3A_388 = arith.constant 0 : i32
    %dma_wait3A_389 = tpu.memref_slice %arg3[%dma_wait3A_387, %dma_wait3A_388] : memref<51200x128xf32, #tpu.memory_space<hbm>> -> memref<51200x128xf32, #tpu.memory_space<hbm>>
    tpu.wait_indirect_dma semaphore(%arg7 : memref<!tpu.dma_semaphore, #tpu.memory_space<semaphore_mem>>) src(%dma_wait3A_389 : memref<51200x128xf32, #tpu.memory_space<hbm>>) dst(%dma_wait3A_386 : memref<16x128xf32, #tpu.memory_space<vmem>>)
    %dma_wait3A_390 = arith.constant 256 : i32
    %dma_wait3A_391 = arith.constant 0 : i32
    %dma_wait3A_392 = tpu.memref_slice %arg6[%dma_wait3A_390, %dma_wait3A_391] : memref<512x128xf32, #tpu.memory_space<vmem>> -> memref<16x128xf32, #tpu.memory_space<vmem>>
    %dma_wait3A_393 = arith.constant 0 : i32
    %dma_wait3A_394 = arith.constant 0 : i32
    %dma_wait3A_395 = tpu.memref_slice %arg3[%dma_wait3A_393, %dma_wait3A_394] : memref<51200x128xf32, #tpu.memory_space<hbm>> -> memref<51200x128xf32, #tpu.memory_space<hbm>>
    tpu.wait_indirect_dma semaphore(%arg7 : memref<!tpu.dma_semaphore, #tpu.memory_space<semaphore_mem>>) src(%dma_wait3A_395 : memref<51200x128xf32, #tpu.memory_space<hbm>>) dst(%dma_wait3A_392 : memref<16x128xf32, #tpu.memory_space<vmem>>)
    %dma_wait3A_396 = arith.constant 272 : i32
    %dma_wait3A_397 = arith.constant 0 : i32
    %dma_wait3A_398 = tpu.memref_slice %arg6[%dma_wait3A_396, %dma_wait3A_397] : memref<512x128xf32, #tpu.memory_space<vmem>> -> memref<16x128xf32, #tpu.memory_space<vmem>>
    %dma_wait3A_399 = arith.constant 0 : i32
    %dma_wait3A_400 = arith.constant 0 : i32
    %dma_wait3A_401 = tpu.memref_slice %arg3[%dma_wait3A_399, %dma_wait3A_400] : memref<51200x128xf32, #tpu.memory_space<hbm>> -> memref<51200x128xf32, #tpu.memory_space<hbm>>
    tpu.wait_indirect_dma semaphore(%arg7 : memref<!tpu.dma_semaphore, #tpu.memory_space<semaphore_mem>>) src(%dma_wait3A_401 : memref<51200x128xf32, #tpu.memory_space<hbm>>) dst(%dma_wait3A_398 : memref<16x128xf32, #tpu.memory_space<vmem>>)
    %dma_wait3A_402 = arith.constant 288 : i32
    %dma_wait3A_403 = arith.constant 0 : i32
    %dma_wait3A_404 = tpu.memref_slice %arg6[%dma_wait3A_402, %dma_wait3A_403] : memref<512x128xf32, #tpu.memory_space<vmem>> -> memref<16x128xf32, #tpu.memory_space<vmem>>
    %dma_wait3A_405 = arith.constant 0 : i32
    %dma_wait3A_406 = arith.constant 0 : i32
    %dma_wait3A_407 = tpu.memref_slice %arg3[%dma_wait3A_405, %dma_wait3A_406] : memref<51200x128xf32, #tpu.memory_space<hbm>> -> memref<51200x128xf32, #tpu.memory_space<hbm>>
    tpu.wait_indirect_dma semaphore(%arg7 : memref<!tpu.dma_semaphore, #tpu.memory_space<semaphore_mem>>) src(%dma_wait3A_407 : memref<51200x128xf32, #tpu.memory_space<hbm>>) dst(%dma_wait3A_404 : memref<16x128xf32, #tpu.memory_space<vmem>>)
    %dma_wait3A_408 = arith.constant 304 : i32
    %dma_wait3A_409 = arith.constant 0 : i32
    %dma_wait3A_410 = tpu.memref_slice %arg6[%dma_wait3A_408, %dma_wait3A_409] : memref<512x128xf32, #tpu.memory_space<vmem>> -> memref<16x128xf32, #tpu.memory_space<vmem>>
    %dma_wait3A_411 = arith.constant 0 : i32
    %dma_wait3A_412 = arith.constant 0 : i32
    %dma_wait3A_413 = tpu.memref_slice %arg3[%dma_wait3A_411, %dma_wait3A_412] : memref<51200x128xf32, #tpu.memory_space<hbm>> -> memref<51200x128xf32, #tpu.memory_space<hbm>>
    tpu.wait_indirect_dma semaphore(%arg7 : memref<!tpu.dma_semaphore, #tpu.memory_space<semaphore_mem>>) src(%dma_wait3A_413 : memref<51200x128xf32, #tpu.memory_space<hbm>>) dst(%dma_wait3A_410 : memref<16x128xf32, #tpu.memory_space<vmem>>)
    %dma_wait3A_414 = arith.constant 320 : i32
    %dma_wait3A_415 = arith.constant 0 : i32
    %dma_wait3A_416 = tpu.memref_slice %arg6[%dma_wait3A_414, %dma_wait3A_415] : memref<512x128xf32, #tpu.memory_space<vmem>> -> memref<16x128xf32, #tpu.memory_space<vmem>>
    %dma_wait3A_417 = arith.constant 0 : i32
    %dma_wait3A_418 = arith.constant 0 : i32
    %dma_wait3A_419 = tpu.memref_slice %arg3[%dma_wait3A_417, %dma_wait3A_418] : memref<51200x128xf32, #tpu.memory_space<hbm>> -> memref<51200x128xf32, #tpu.memory_space<hbm>>
    tpu.wait_indirect_dma semaphore(%arg7 : memref<!tpu.dma_semaphore, #tpu.memory_space<semaphore_mem>>) src(%dma_wait3A_419 : memref<51200x128xf32, #tpu.memory_space<hbm>>) dst(%dma_wait3A_416 : memref<16x128xf32, #tpu.memory_space<vmem>>)
    %dma_wait3A_420 = arith.constant 336 : i32
    %dma_wait3A_421 = arith.constant 0 : i32
    %dma_wait3A_422 = tpu.memref_slice %arg6[%dma_wait3A_420, %dma_wait3A_421] : memref<512x128xf32, #tpu.memory_space<vmem>> -> memref<16x128xf32, #tpu.memory_space<vmem>>
    %dma_wait3A_423 = arith.constant 0 : i32
    %dma_wait3A_424 = arith.constant 0 : i32
    %dma_wait3A_425 = tpu.memref_slice %arg3[%dma_wait3A_423, %dma_wait3A_424] : memref<51200x128xf32, #tpu.memory_space<hbm>> -> memref<51200x128xf32, #tpu.memory_space<hbm>>
    tpu.wait_indirect_dma semaphore(%arg7 : memref<!tpu.dma_semaphore, #tpu.memory_space<semaphore_mem>>) src(%dma_wait3A_425 : memref<51200x128xf32, #tpu.memory_space<hbm>>) dst(%dma_wait3A_422 : memref<16x128xf32, #tpu.memory_space<vmem>>)
    %dma_wait3A_426 = arith.constant 352 : i32
    %dma_wait3A_427 = arith.constant 0 : i32
    %dma_wait3A_428 = tpu.memref_slice %arg6[%dma_wait3A_426, %dma_wait3A_427] : memref<512x128xf32, #tpu.memory_space<vmem>> -> memref<16x128xf32, #tpu.memory_space<vmem>>
    %dma_wait3A_429 = arith.constant 0 : i32
    %dma_wait3A_430 = arith.constant 0 : i32
    %dma_wait3A_431 = tpu.memref_slice %arg3[%dma_wait3A_429, %dma_wait3A_430] : memref<51200x128xf32, #tpu.memory_space<hbm>> -> memref<51200x128xf32, #tpu.memory_space<hbm>>
    tpu.wait_indirect_dma semaphore(%arg7 : memref<!tpu.dma_semaphore, #tpu.memory_space<semaphore_mem>>) src(%dma_wait3A_431 : memref<51200x128xf32, #tpu.memory_space<hbm>>) dst(%dma_wait3A_428 : memref<16x128xf32, #tpu.memory_space<vmem>>)
    %dma_wait3A_432 = arith.constant 368 : i32
    %dma_wait3A_433 = arith.constant 0 : i32
    %dma_wait3A_434 = tpu.memref_slice %arg6[%dma_wait3A_432, %dma_wait3A_433] : memref<512x128xf32, #tpu.memory_space<vmem>> -> memref<16x128xf32, #tpu.memory_space<vmem>>
    %dma_wait3A_435 = arith.constant 0 : i32
    %dma_wait3A_436 = arith.constant 0 : i32
    %dma_wait3A_437 = tpu.memref_slice %arg3[%dma_wait3A_435, %dma_wait3A_436] : memref<51200x128xf32, #tpu.memory_space<hbm>> -> memref<51200x128xf32, #tpu.memory_space<hbm>>
    tpu.wait_indirect_dma semaphore(%arg7 : memref<!tpu.dma_semaphore, #tpu.memory_space<semaphore_mem>>) src(%dma_wait3A_437 : memref<51200x128xf32, #tpu.memory_space<hbm>>) dst(%dma_wait3A_434 : memref<16x128xf32, #tpu.memory_space<vmem>>)
    %dma_wait3A_438 = arith.constant 384 : i32
    %dma_wait3A_439 = arith.constant 0 : i32
    %dma_wait3A_440 = tpu.memref_slice %arg6[%dma_wait3A_438, %dma_wait3A_439] : memref<512x128xf32, #tpu.memory_space<vmem>> -> memref<16x128xf32, #tpu.memory_space<vmem>>
    %dma_wait3A_441 = arith.constant 0 : i32
    %dma_wait3A_442 = arith.constant 0 : i32
    %dma_wait3A_443 = tpu.memref_slice %arg3[%dma_wait3A_441, %dma_wait3A_442] : memref<51200x128xf32, #tpu.memory_space<hbm>> -> memref<51200x128xf32, #tpu.memory_space<hbm>>
    tpu.wait_indirect_dma semaphore(%arg7 : memref<!tpu.dma_semaphore, #tpu.memory_space<semaphore_mem>>) src(%dma_wait3A_443 : memref<51200x128xf32, #tpu.memory_space<hbm>>) dst(%dma_wait3A_440 : memref<16x128xf32, #tpu.memory_space<vmem>>)
    %dma_wait3A_444 = arith.constant 400 : i32
    %dma_wait3A_445 = arith.constant 0 : i32
    %dma_wait3A_446 = tpu.memref_slice %arg6[%dma_wait3A_444, %dma_wait3A_445] : memref<512x128xf32, #tpu.memory_space<vmem>> -> memref<16x128xf32, #tpu.memory_space<vmem>>
    %dma_wait3A_447 = arith.constant 0 : i32
    %dma_wait3A_448 = arith.constant 0 : i32
    %dma_wait3A_449 = tpu.memref_slice %arg3[%dma_wait3A_447, %dma_wait3A_448] : memref<51200x128xf32, #tpu.memory_space<hbm>> -> memref<51200x128xf32, #tpu.memory_space<hbm>>
    tpu.wait_indirect_dma semaphore(%arg7 : memref<!tpu.dma_semaphore, #tpu.memory_space<semaphore_mem>>) src(%dma_wait3A_449 : memref<51200x128xf32, #tpu.memory_space<hbm>>) dst(%dma_wait3A_446 : memref<16x128xf32, #tpu.memory_space<vmem>>)
    %dma_wait3A_450 = arith.constant 416 : i32
    %dma_wait3A_451 = arith.constant 0 : i32
    %dma_wait3A_452 = tpu.memref_slice %arg6[%dma_wait3A_450, %dma_wait3A_451] : memref<512x128xf32, #tpu.memory_space<vmem>> -> memref<16x128xf32, #tpu.memory_space<vmem>>
    %dma_wait3A_453 = arith.constant 0 : i32
    %dma_wait3A_454 = arith.constant 0 : i32
    %dma_wait3A_455 = tpu.memref_slice %arg3[%dma_wait3A_453, %dma_wait3A_454] : memref<51200x128xf32, #tpu.memory_space<hbm>> -> memref<51200x128xf32, #tpu.memory_space<hbm>>
    tpu.wait_indirect_dma semaphore(%arg7 : memref<!tpu.dma_semaphore, #tpu.memory_space<semaphore_mem>>) src(%dma_wait3A_455 : memref<51200x128xf32, #tpu.memory_space<hbm>>) dst(%dma_wait3A_452 : memref<16x128xf32, #tpu.memory_space<vmem>>)
    %dma_wait3A_456 = arith.constant 432 : i32
    %dma_wait3A_457 = arith.constant 0 : i32
    %dma_wait3A_458 = tpu.memref_slice %arg6[%dma_wait3A_456, %dma_wait3A_457] : memref<512x128xf32, #tpu.memory_space<vmem>> -> memref<16x128xf32, #tpu.memory_space<vmem>>
    %dma_wait3A_459 = arith.constant 0 : i32
    %dma_wait3A_460 = arith.constant 0 : i32
    %dma_wait3A_461 = tpu.memref_slice %arg3[%dma_wait3A_459, %dma_wait3A_460] : memref<51200x128xf32, #tpu.memory_space<hbm>> -> memref<51200x128xf32, #tpu.memory_space<hbm>>
    tpu.wait_indirect_dma semaphore(%arg7 : memref<!tpu.dma_semaphore, #tpu.memory_space<semaphore_mem>>) src(%dma_wait3A_461 : memref<51200x128xf32, #tpu.memory_space<hbm>>) dst(%dma_wait3A_458 : memref<16x128xf32, #tpu.memory_space<vmem>>)
    %dma_wait3A_462 = arith.constant 448 : i32
    %dma_wait3A_463 = arith.constant 0 : i32
    %dma_wait3A_464 = tpu.memref_slice %arg6[%dma_wait3A_462, %dma_wait3A_463] : memref<512x128xf32, #tpu.memory_space<vmem>> -> memref<16x128xf32, #tpu.memory_space<vmem>>
    %dma_wait3A_465 = arith.constant 0 : i32
    %dma_wait3A_466 = arith.constant 0 : i32
    %dma_wait3A_467 = tpu.memref_slice %arg3[%dma_wait3A_465, %dma_wait3A_466] : memref<51200x128xf32, #tpu.memory_space<hbm>> -> memref<51200x128xf32, #tpu.memory_space<hbm>>
    tpu.wait_indirect_dma semaphore(%arg7 : memref<!tpu.dma_semaphore, #tpu.memory_space<semaphore_mem>>) src(%dma_wait3A_467 : memref<51200x128xf32, #tpu.memory_space<hbm>>) dst(%dma_wait3A_464 : memref<16x128xf32, #tpu.memory_space<vmem>>)
    %dma_wait3A_468 = arith.constant 464 : i32
    %dma_wait3A_469 = arith.constant 0 : i32
    %dma_wait3A_470 = tpu.memref_slice %arg6[%dma_wait3A_468, %dma_wait3A_469] : memref<512x128xf32, #tpu.memory_space<vmem>> -> memref<16x128xf32, #tpu.memory_space<vmem>>
    %dma_wait3A_471 = arith.constant 0 : i32
    %dma_wait3A_472 = arith.constant 0 : i32
    %dma_wait3A_473 = tpu.memref_slice %arg3[%dma_wait3A_471, %dma_wait3A_472] : memref<51200x128xf32, #tpu.memory_space<hbm>> -> memref<51200x128xf32, #tpu.memory_space<hbm>>
    tpu.wait_indirect_dma semaphore(%arg7 : memref<!tpu.dma_semaphore, #tpu.memory_space<semaphore_mem>>) src(%dma_wait3A_473 : memref<51200x128xf32, #tpu.memory_space<hbm>>) dst(%dma_wait3A_470 : memref<16x128xf32, #tpu.memory_space<vmem>>)
    %dma_wait3A_474 = arith.constant 480 : i32
    %dma_wait3A_475 = arith.constant 0 : i32
    %dma_wait3A_476 = tpu.memref_slice %arg6[%dma_wait3A_474, %dma_wait3A_475] : memref<512x128xf32, #tpu.memory_space<vmem>> -> memref<16x128xf32, #tpu.memory_space<vmem>>
    %dma_wait3A_477 = arith.constant 0 : i32
    %dma_wait3A_478 = arith.constant 0 : i32
    %dma_wait3A_479 = tpu.memref_slice %arg3[%dma_wait3A_477, %dma_wait3A_478] : memref<51200x128xf32, #tpu.memory_space<hbm>> -> memref<51200x128xf32, #tpu.memory_space<hbm>>
    tpu.wait_indirect_dma semaphore(%arg7 : memref<!tpu.dma_semaphore, #tpu.memory_space<semaphore_mem>>) src(%dma_wait3A_479 : memref<51200x128xf32, #tpu.memory_space<hbm>>) dst(%dma_wait3A_476 : memref<16x128xf32, #tpu.memory_space<vmem>>)
    %dma_wait3A_480 = arith.constant 496 : i32
    %dma_wait3A_481 = arith.constant 0 : i32
    %dma_wait3A_482 = tpu.memref_slice %arg6[%dma_wait3A_480, %dma_wait3A_481] : memref<512x128xf32, #tpu.memory_space<vmem>> -> memref<16x128xf32, #tpu.memory_space<vmem>>
    %dma_wait3A_483 = arith.constant 0 : i32
    %dma_wait3A_484 = arith.constant 0 : i32
    %dma_wait3A_485 = tpu.memref_slice %arg3[%dma_wait3A_483, %dma_wait3A_484] : memref<51200x128xf32, #tpu.memory_space<hbm>> -> memref<51200x128xf32, #tpu.memory_space<hbm>>
    tpu.wait_indirect_dma semaphore(%arg7 : memref<!tpu.dma_semaphore, #tpu.memory_space<semaphore_mem>>) src(%dma_wait3A_485 : memref<51200x128xf32, #tpu.memory_space<hbm>>) dst(%dma_wait3A_482 : memref<16x128xf32, #tpu.memory_space<vmem>>)
    "tpu.region"() ({
      %run_scoped3A = tpu.sem_alloc : memref<!tpu.dma_semaphore, #tpu.memory_space<semaphore_mem>>
      %dma_start3A_486 = arith.constant 0 : i32
      %dma_start3A_487 = tpu.memref_slice %arg4[%mul3A_2, %dma_start3A_486] : memref<16384x128xf32, #tpu.memory_space<hbm>> -> memref<512x128xf32, #tpu.memory_space<hbm>>
      %dma_start3A_488 = arith.constant 0 : i32
      %dma_start3A_489 = tpu.memref_slice %arg4[%mul3A_2, %dma_start3A_488] : memref<16384x128xf32, #tpu.memory_space<hbm>> -> memref<512x128xf32, #tpu.memory_space<hbm>>
      tpu.enqueue_dma source(%arg6 : memref<512x128xf32, #tpu.memory_space<vmem>>) target(%dma_start3A_489 : memref<512x128xf32, #tpu.memory_space<hbm>>) target_semaphore(%run_scoped3A : memref<!tpu.dma_semaphore, #tpu.memory_space<semaphore_mem>>)
      %dma_wait3A_490 = arith.constant 0 : i32
      %dma_wait3A_491 = tpu.memref_slice %arg4[%mul3A_2, %dma_wait3A_490] : memref<16384x128xf32, #tpu.memory_space<hbm>> -> memref<512x128xf32, #tpu.memory_space<hbm>>
      %dma_wait3A_492 = arith.constant 0 : i32
      %dma_wait3A_493 = tpu.memref_slice %arg4[%mul3A_2, %dma_wait3A_492] : memref<16384x128xf32, #tpu.memory_space<hbm>> -> memref<512x128xf32, #tpu.memory_space<hbm>>
      tpu.wait_dma2 semaphore(%run_scoped3A : memref<!tpu.dma_semaphore, #tpu.memory_space<semaphore_mem>>) src(%arg6 : memref<512x128xf32, #tpu.memory_space<vmem>>) dst(%dma_wait3A_493 : memref<512x128xf32, #tpu.memory_space<hbm>>)
      tpu.yield
    }) : () -> ()
    return
  }
}

module attributes {stable_mosaic.version = 14 : i64} {
  func.func @_relayout_body(%arg0: i32, %arg1: memref<64x10240xf32, #tpu.memory_space<vmem>>, %arg2: memref<64x10240xf32, #tpu.memory_space<vmem>>, %arg3: memref<10240x128xf32, #tpu.memory_space<vmem>>) attributes {dimension_semantics = [#tpu.dimension_semantics<arbitrary>], iteration_bounds = array<i64: 5>, scalar_prefetch = 0 : i64, scratch_operands = 0 : i64, tpu.core_type = #tpu.core_type<tc>, window_params = [{transform_indices = @transform_0, window_bounds = array<i64: 64, 10240>}, {transform_indices = @transform_1, window_bounds = array<i64: 64, 10240>}, {transform_indices = @transform_2, window_bounds = array<i64: 10240, 128>}]} {
    %get3A = arith.constant 0 : index
    %get3A_0 = arith.constant 0 : index
    %get3A_1 = vector.load %arg1[%get3A, %get3A_0] : memref<64x10240xf32, #tpu.memory_space<vmem>>, vector<64x10240xf32>
    %transpose3A = tpu.transpose %get3A_1, [1, 0] : vector<64x10240xf32> -> vector<10240x64xf32>
    %get3A_2 = arith.constant 0 : index
    %get3A_3 = arith.constant 0 : index
    %get3A_4 = vector.load %arg2[%get3A_2, %get3A_3] : memref<64x10240xf32, #tpu.memory_space<vmem>>, vector<64x10240xf32>
    %transpose3A_5 = tpu.transpose %get3A_4, [1, 0] : vector<64x10240xf32> -> vector<10240x64xf32>
    %concatenate3A = tpu.concatenate %transpose3A, %transpose3A_5 in 1 : vector<10240x64xf32>, vector<10240x64xf32> -> vector<10240x128xf32>
    %swap3A = arith.constant 0 : index
    %swap3A_6 = arith.constant 0 : index
    %swap3A_7 = vector.load %arg3[%swap3A, %swap3A_6] : memref<10240x128xf32, #tpu.memory_space<vmem>>, vector<10240x128xf32>
    tpu.vector_store %arg3[%swap3A, %swap3A_6], %concatenate3A {strides = array<i32>} : memref<10240x128xf32, #tpu.memory_space<vmem>>, vector<10240x128xf32>,
    return
  }
  func.func @transform_0(%arg0: i32) -> (i32, i32) {
    %c0_i32 = arith.constant 0 : i32
    %c0_i32_0 = arith.constant 0 : i32
    return %c0_i32, %arg0 : i32, i32
  }
  func.func @transform_1(%arg0: i32) -> (i32, i32) {
    %add3A = arith.constant 5 : i32
    %add3A_0 = arith.addi %add3A, %arg0 : i32
    %min3A = arith.constant 9 : i32
    %min3A_1 = arith.minsi %add3A_0, %min3A : i32
    %c0_i32 = arith.constant 0 : i32
    %c0_i32_2 = arith.constant 0 : i32
    return %c0_i32, %min3A_1 : i32, i32
  }
  func.func @transform_2(%arg0: i32) -> (i32, i32) {
    %c0_i32 = arith.constant 0 : i32
    %c0_i32_0 = arith.constant 0 : i32
    return %arg0, %c0_i32 : i32, i32
  }
}

module attributes {stable_mosaic.version = 14 : i64} {
  func.func @_demb_body(%arg0: i32, %arg1: memref<2048xi32, #tpu.memory_space<vmem>>, %arg2: memref<1001x64xf32, #tpu.memory_space<vmem>>, %arg3: memref<2048x64xf32, #tpu.memory_space<vmem>>) attributes {dimension_semantics = [#tpu.dimension_semantics<arbitrary>], iteration_bounds = array<i64: 8>, scalar_prefetch = 0 : i64, scratch_operands = 0 : i64, tpu.core_type = #tpu.core_type<tc>, window_params = [{transform_indices = @transform_0, window_bounds = array<i64: 2048>}, {pipeline_mode = #tpu.pipeline_mode<synchronous>, transform_indices = @transform_1, window_bounds = array<i64: 1001, 64>}, {transform_indices = @transform_2, window_bounds = array<i64: 2048, 64>}]} {
    %get3A = arith.constant 0 : index
    %get3A_0 = vector.load %arg1[%get3A] : memref<2048xi32, #tpu.memory_space<vmem>>, vector<2048xi32>
    %reshape3A = vector.shape_cast %get3A_0 : vector<2048xi32> to vector<2048x1xi32>
    %ge3A = arith.constant 0 : i32
    %ge3A_1 = vector.broadcast %ge3A : i32 to vector<2048x1xi32>
    %ge3A_2 = arith.cmpi sge, %reshape3A, %ge3A_1 : vector<2048x1xi32>
    %jit3A = arith.constant 1000 : i32
    %broadcast_in_dim3A = vector.broadcast %jit3A : i32 to vector<2048x1xi32>
    %select_n3A = arith.select %ge3A_2, %reshape3A, %broadcast_in_dim3A : vector<2048x1xi1>, vector<2048x1xi32>
    %iota3A = tpu.iota {dimensions = array<i32: 1>} : vector<2048x1001xi32>
    %eq3A = vector.broadcast %select_n3A : vector<2048x1xi32> to vector<2048x1001xi32>
    %eq3A_3 = arith.cmpi eq, %eq3A, %iota3A : vector<2048x1001xi32>
    %convert_element_type3A = arith.extui %eq3A_3 : vector<2048x1001xi1> to vector<2048x1001xi32>
    %convert_element_type3A_4 = arith.sitofp %convert_element_type3A : vector<2048x1001xi32> to vector<2048x1001xf32>
    %get3A_5 = arith.constant 0 : index
    %get3A_6 = arith.constant 0 : index
    %get3A_7 = vector.load %arg2[%get3A_5, %get3A_6] : memref<1001x64xf32, #tpu.memory_space<vmem>>, vector<1001x64xf32>
    %dot_general3A = arith.constant dense<0.000000e+00> : vector<2048x64xf32>
    %dot_general3A_8 = tpu.matmul %convert_element_type3A_4, %get3A_7, %dot_general3A {dimension_numbers = #tpu.dot_dimension_numbers<[1], [0], [0], [1], [0, 0, 1, 1], [], []>, transpose_lhs_hint = false} : vector<2048x1001xf32>, vector<1001x64xf32>, vector<2048x64xf32> -> vector<2048x64xf32>
    %swap3A = arith.constant 0 : index
    %swap3A_9 = arith.constant 0 : index
    %swap3A_10 = vector.load %arg3[%swap3A, %swap3A_9] : memref<2048x64xf32, #tpu.memory_space<vmem>>, vector<2048x64xf32>
    tpu.vector_store %arg3[%swap3A, %swap3A_9], %dot_general3A_8 {strides = array<i32>} : memref<2048x64xf32, #tpu.memory_space<vmem>>, vector<2048x64xf32>,
    return
  }
  func.func @transform_0(%arg0: i32) -> i32 {
    %c0_i32 = arith.constant 0 : i32
    return %arg0 : i32
  }
  func.func @transform_1(%arg0: i32) -> (i32, i32) {
    %c0_i32 = arith.constant 0 : i32
    %c0_i32_0 = arith.constant 0 : i32
    %c0_i32_1 = arith.constant 0 : i32
    return %c0_i32, %c0_i32_0 : i32, i32
  }
  func.func @transform_2(%arg0: i32) -> (i32, i32) {
    %c0_i32 = arith.constant 0 : i32
    %c0_i32_0 = arith.constant 0 : i32
    return %arg0, %c0_i32 : i32, i32
  }
}

module attributes {stable_mosaic.version = 14 : i64} {
  func.func @_decode_body(%arg0: i32, %arg1: memref<4096x64xf32, #tpu.memory_space<vmem>>, %arg2: memref<4096xi32, #tpu.memory_space<vmem>>, %arg3: memref<4096x128xf32, #tpu.memory_space<vmem>>, %arg4: memref<64x101xf32, #tpu.memory_space<vmem>>, %arg5: memref<101x1xf32, #tpu.memory_space<vmem>>, %arg6: memref<64x201xf32, #tpu.memory_space<vmem>>, %arg7: memref<201x1xf32, #tpu.memory_space<vmem>>, %arg8: memref<64x17xf32, #tpu.memory_space<vmem>>, %arg9: memref<17x1xf32, #tpu.memory_space<vmem>>, %arg10: memref<101x4096xf32, #tpu.memory_space<vmem>>, %arg11: memref<201x4096xf32, #tpu.memory_space<vmem>>, %arg12: memref<17x4096xf32, #tpu.memory_space<vmem>>) attributes {dimension_semantics = [#tpu.dimension_semantics<arbitrary>], iteration_bounds = array<i64: 4>, scalar_prefetch = 0 : i64, scratch_operands = 0 : i64, tpu.core_type = #tpu.core_type<tc>, window_params = [{transform_indices = @transform_0, window_bounds = array<i64: 4096, 64>}, {transform_indices = @transform_1, window_bounds = array<i64: 4096>}, {transform_indices = @transform_2, window_bounds = array<i64: 4096, 128>}, {pipeline_mode = #tpu.pipeline_mode<synchronous>, transform_indices = @transform_3, window_bounds = array<i64: 64, 101>}, {pipeline_mode = #tpu.pipeline_mode<synchronous>, transform_indices = @transform_4, window_bounds = array<i64: 101, 1>}, {pipeline_mode = #tpu.pipeline_mode<synchronous>, transform_indices = @transform_5, window_bounds = array<i64: 64, 201>}, {pipeline_mode = #tpu.pipeline_mode<synchronous>, transform_indices = @transform_6, window_bounds = array<i64: 201, 1>}, {pipeline_mode = #tpu.pipeline_mode<synchronous>, transform_indices = @transform_7, window_bounds = array<i64: 64, 17>}, {pipeline_mode = #tpu.pipeline_mode<synchronous>, transform_indices = @transform_8, window_bounds = array<i64: 17, 1>}, {transform_indices = @transform_9, window_bounds = array<i64: 101, 4096>}, {transform_indices = @transform_10, window_bounds = array<i64: 201, 4096>}, {transform_indices = @transform_11, window_bounds = array<i64: 17, 4096>}]} {
    %get3A = arith.constant 0 : index
    %get3A_0 = vector.load %arg2[%get3A] : memref<4096xi32, #tpu.memory_space<vmem>>, vector<4096xi32>
    %reshape3A = vector.shape_cast %get3A_0 : vector<4096xi32> to vector<4096x1xi32>
    %ge3A = arith.constant 0 : i32
    %ge3A_1 = vector.broadcast %ge3A : i32 to vector<4096x1xi32>
    %ge3A_2 = arith.cmpi sge, %reshape3A, %ge3A_1 : vector<4096x1xi32>
    %jit3A = arith.constant 100000 : i32
    %broadcast_in_dim3A = vector.broadcast %jit3A : i32 to vector<4096x1xi32>
    %select_n3A = arith.select %ge3A_2, %reshape3A, %broadcast_in_dim3A : vector<4096x1xi1>, vector<4096x1xi32>
    %ge3A_3 = arith.constant 51200 : i32
    %ge3A_4 = vector.broadcast %ge3A_3 : i32 to vector<4096x1xi32>
    %ge3A_5 = arith.cmpi sge, %select_n3A, %ge3A_4 : vector<4096x1xi32>
    %get3A_6 = arith.constant 0 : index
    %get3A_7 = arith.constant 0 : index
    %get3A_8 = vector.load %arg1[%get3A_6, %get3A_7] : memref<4096x64xf32, #tpu.memory_space<vmem>>, vector<4096x64xf32>
    %get3A_9 = arith.constant 0 : index
    %get3A_10 = arith.constant 64 : index
    %get3A_11 = vector.load %arg3[%get3A_9, %get3A_10] : memref<4096x128xf32, #tpu.memory_space<vmem>>, vector<4096x64xf32>
    %get3A_12 = arith.constant 0 : index
    %get3A_13 = arith.constant 0 : index
    %get3A_14 = vector.load %arg3[%get3A_12, %get3A_13] : memref<4096x128xf32, #tpu.memory_space<vmem>>, vector<4096x64xf32>
    %broadcast_in_dim3A_15 = vector.shape_cast %ge3A_5 : vector<4096x1xi1> to vector<4096x1xi1>
    %broadcast_in_dim3A_16 = vector.broadcast %broadcast_in_dim3A_15 : vector<4096x1xi1> to vector<4096x64xi1>
    %select_n3A_17 = arith.select %broadcast_in_dim3A_16, %get3A_11, %get3A_14 : vector<4096x64xi1>, vector<4096x64xf32>
    %add3A = arith.addf %get3A_8, %select_n3A_17 : vector<4096x64xf32>
    %transpose3A = tpu.transpose %add3A, [1, 0] : vector<4096x64xf32> -> vector<64x4096xf32>
    %get3A_18 = arith.constant 0 : index
    %get3A_19 = arith.constant 0 : index
    %get3A_20 = vector.load %arg4[%get3A_18, %get3A_19] : memref<64x101xf32, #tpu.memory_space<vmem>>, vector<64x101xf32>
    %transpose3A_21 = tpu.transpose %get3A_20, [1, 0] : vector<64x101xf32> -> vector<101x64xf32>
    %dot_general3A = arith.constant dense<0.000000e+00> : vector<101x4096xf32>
    %dot_general3A_22 = tpu.matmul %transpose3A_21, %transpose3A, %dot_general3A {dimension_numbers = #tpu.dot_dimension_numbers<[1], [0], [0], [1], [0, 0, 1, 1], [], []>, transpose_lhs_hint = false} : vector<101x64xf32>, vector<64x4096xf32>, vector<101x4096xf32> -> vector<101x4096xf32>
    %get3A_23 = arith.constant 0 : index
    %get3A_24 = arith.constant 0 : index
    %get3A_25 = vector.load %arg5[%get3A_23, %get3A_24] : memref<101x1xf32, #tpu.memory_space<vmem>>, vector<101x1xf32>
    %add3A_26 = vector.broadcast %get3A_25 : vector<101x1xf32> to vector<101x4096xf32>
    %add3A_27 = arith.addf %dot_general3A_22, %add3A_26 : vector<101x4096xf32>
    %swap3A = arith.constant 0 : index
    %swap3A_28 = arith.constant 0 : index
    %swap3A_29 = vector.load %arg10[%swap3A, %swap3A_28] : memref<101x4096xf32, #tpu.memory_space<vmem>>, vector<101x4096xf32>
    tpu.vector_store %arg10[%swap3A, %swap3A_28], %add3A_27 {strides = array<i32>} : memref<101x4096xf32, #tpu.memory_space<vmem>>, vector<101x4096xf32>,
    %get3A_30 = arith.constant 0 : index
    %get3A_31 = arith.constant 0 : index
    %get3A_32 = vector.load %arg6[%get3A_30, %get3A_31] : memref<64x201xf32, #tpu.memory_space<vmem>>, vector<64x201xf32>
    %transpose3A_33 = tpu.transpose %get3A_32, [1, 0] : vector<64x201xf32> -> vector<201x64xf32>
    %dot_general3A_34 = arith.constant dense<0.000000e+00> : vector<201x4096xf32>
    %dot_general3A_35 = tpu.matmul %transpose3A_33, %transpose3A, %dot_general3A_34 {dimension_numbers = #tpu.dot_dimension_numbers<[1], [0], [0], [1], [0, 0, 1, 1], [], []>, transpose_lhs_hint = false} : vector<201x64xf32>, vector<64x4096xf32>, vector<201x4096xf32> -> vector<201x4096xf32>
    %get3A_36 = arith.constant 0 : index
    %get3A_37 = arith.constant 0 : index
    %get3A_38 = vector.load %arg7[%get3A_36, %get3A_37] : memref<201x1xf32, #tpu.memory_space<vmem>>, vector<201x1xf32>
    %add3A_39 = vector.broadcast %get3A_38 : vector<201x1xf32> to vector<201x4096xf32>
    %add3A_40 = arith.addf %dot_general3A_35, %add3A_39 : vector<201x4096xf32>
    %swap3A_41 = arith.constant 0 : index
    %swap3A_42 = arith.constant 0 : index
    %swap3A_43 = vector.load %arg11[%swap3A_41, %swap3A_42] : memref<201x4096xf32, #tpu.memory_space<vmem>>, vector<201x4096xf32>
    tpu.vector_store %arg11[%swap3A_41, %swap3A_42], %add3A_40 {strides = array<i32>} : memref<201x4096xf32, #tpu.memory_space<vmem>>, vector<201x4096xf32>,
    %get3A_44 = arith.constant 0 : index
    %get3A_45 = arith.constant 0 : index
    %get3A_46 = vector.load %arg8[%get3A_44, %get3A_45] : memref<64x17xf32, #tpu.memory_space<vmem>>, vector<64x17xf32>
    %transpose3A_47 = tpu.transpose %get3A_46, [1, 0] : vector<64x17xf32> -> vector<17x64xf32>
    %dot_general3A_48 = arith.constant dense<0.000000e+00> : vector<17x4096xf32>
    %dot_general3A_49 = tpu.matmul %transpose3A_47, %transpose3A, %dot_general3A_48 {dimension_numbers = #tpu.dot_dimension_numbers<[1], [0], [0], [1], [0, 0, 1, 1], [], []>, transpose_lhs_hint = false} : vector<17x64xf32>, vector<64x4096xf32>, vector<17x4096xf32> -> vector<17x4096xf32>
    %get3A_50 = arith.constant 0 : index
    %get3A_51 = arith.constant 0 : index
    %get3A_52 = vector.load %arg9[%get3A_50, %get3A_51] : memref<17x1xf32, #tpu.memory_space<vmem>>, vector<17x1xf32>
    %add3A_53 = vector.broadcast %get3A_52 : vector<17x1xf32> to vector<17x4096xf32>
    %add3A_54 = arith.addf %dot_general3A_49, %add3A_53 : vector<17x4096xf32>
    %swap3A_55 = arith.constant 0 : index
    %swap3A_56 = arith.constant 0 : index
    %swap3A_57 = vector.load %arg12[%swap3A_55, %swap3A_56] : memref<17x4096xf32, #tpu.memory_space<vmem>>, vector<17x4096xf32>
    tpu.vector_store %arg12[%swap3A_55, %swap3A_56], %add3A_54 {strides = array<i32>} : memref<17x4096xf32, #tpu.memory_space<vmem>>, vector<17x4096xf32>,
    return
  }
  func.func @transform_0(%arg0: i32) -> (i32, i32) {
    %c0_i32 = arith.constant 0 : i32
    %c0_i32_0 = arith.constant 0 : i32
    return %arg0, %c0_i32 : i32, i32
  }
  func.func @transform_1(%arg0: i32) -> i32 {
    %c0_i32 = arith.constant 0 : i32
    return %arg0 : i32
  }
  func.func @transform_2(%arg0: i32) -> (i32, i32) {
    %c0_i32 = arith.constant 0 : i32
    %c0_i32_0 = arith.constant 0 : i32
    return %arg0, %c0_i32 : i32, i32
  }
  func.func @transform_3(%arg0: i32) -> (i32, i32) {
    %c0_i32 = arith.constant 0 : i32
    %c0_i32_0 = arith.constant 0 : i32
    %c0_i32_1 = arith.constant 0 : i32
    return %c0_i32, %c0_i32_0 : i32, i32
  }
  func.func @transform_4(%arg0: i32) -> (i32, i32) {
    %c0_i32 = arith.constant 0 : i32
    %c0_i32_0 = arith.constant 0 : i32
    %c0_i32_1 = arith.constant 0 : i32
    return %c0_i32, %c0_i32_0 : i32, i32
  }
  func.func @transform_5(%arg0: i32) -> (i32, i32) {
    %c0_i32 = arith.constant 0 : i32
    %c0_i32_0 = arith.constant 0 : i32
    %c0_i32_1 = arith.constant 0 : i32
    return %c0_i32, %c0_i32_0 : i32, i32
  }
  func.func @transform_6(%arg0: i32) -> (i32, i32) {
    %c0_i32 = arith.constant 0 : i32
    %c0_i32_0 = arith.constant 0 : i32
    %c0_i32_1 = arith.constant 0 : i32
    return %c0_i32, %c0_i32_0 : i32, i32
  }
  func.func @transform_7(%arg0: i32) -> (i32, i32) {
    %c0_i32 = arith.constant 0 : i32
    %c0_i32_0 = arith.constant 0 : i32
    %c0_i32_1 = arith.constant 0 : i32
    return %c0_i32, %c0_i32_0 : i32, i32
  }
  func.func @transform_8(%arg0: i32) -> (i32, i32) {
    %c0_i32 = arith.constant 0 : i32
    %c0_i32_0 = arith.constant 0 : i32
    %c0_i32_1 = arith.constant 0 : i32
    return %c0_i32, %c0_i32_0 : i32, i32
  }
  func.func @transform_9(%arg0: i32) -> (i32, i32) {
    %c0_i32 = arith.constant 0 : i32
    %c0_i32_0 = arith.constant 0 : i32
    return %c0_i32, %arg0 : i32, i32
  }
  func.func @transform_10(%arg0: i32) -> (i32, i32) {
    %c0_i32 = arith.constant 0 : i32
    %c0_i32_0 = arith.constant 0 : i32
    return %c0_i32, %arg0 : i32, i32
  }
  func.func @transform_11(%arg0: i32) -> (i32, i32) {
    %c0_i32 = arith.constant 0 : i32
    %c0_i32_0 = arith.constant 0 : i32
    return %c0_i32, %arg0 : i32, i32
  }
}

</mosaic_0001>

<sc_bundles>
// kernel: kernel.6.cloned.1.call-start
scs
__scs_entry_jumppad:
0x0: {  	(pc) =	sbr.rel $0x88, $3  }
0x1: {  	(tag) =	ssettag $0x0;
	lr =	simm.s32 $0x1  }
0x2: {  	[smem:$0x3F97] =	sst lr;
	_ =	strace $0xD0000000  }
0x3: {  	_ = 	snop  }
0x4: {  	_ = 	snop  }
0x5: {  	_ = 	snop  }
0x6: {  	_ = 	snop  }
0x7: {  	_ = 	snop  }
__scs_overlays_trampoline_lowered:
0x8: {  	[smem:$0x3FA6] =	sst s0  }
0x9: {  	[smem:$0x3FA7] =	sst s1  }
0xa: {  	[smem:$0x3FA8] =	sst s2  }
0xb: {  	[smem:$0x3FA9] =	sst s3  }
0xc: {  	[smem:$0x3FAA] =	sst s4  }
0xd: {  	[smem:$0x3FAB] =	sst s5  }
0xe: {  	[smem:$0x3FAC] =	sst s6  }
0xf: {  	[smem:$0x3FAD] =	sst s7  }
0x10: {  	[smem:$0x3FAE] =	sst s8  }
0x11: {  	[smem:$0x3FAF] =	sst s9;
	s0 =	simm.s32 @!p0 $0x0  }
0x12: {  	s1 =	sld [smem:$0x3F95];
	s0 =	simm.s32 @p0 $0x1  }
0x13: {  	[smem:$0x3FB0] =	sst s0;
	s0 =	simm.s32 @!p1 $0x0  }
0x14: {  	s2 =	sld [smem:$0x3F94];
	s0 =	simm.s32 @p1 $0x1  }
0x15: {  	[smem:$0x3FB1] =	sst s0;
	s0 =	simm.s32 @!p2 $0x0  }
0x16: {  	s3 =	sld [smem:$0x3FDB];
	s0 =	simm.s32 @p2 $0x1  }
0x17: {  	s4 =	simm.s32 $0x1BF5;
	[smem:$0x3FB3] =	sst s0  }
0x18: {  	s0 =	sld [smem:$0x3F96];
	_ =	swait.ge [sflag:s4], $0x0  }
0x19: {  	s7 =	sld [smem:$0x3F97]  }
0x1a: {  	s8 =	sadd.s32 $0xFFFFE003, lr  }
0x1b: {  	s9 =	sadd.s32 $0xFFFFFEF7, lr;
	s5 =	simm.s32 $0xFFFFFFFF;
	p2 =	slt.u32 s8, $0xFFFFF086  }
0x1c: {  	p1 =	slt.u32 s9, $0xF7A;
	s5 =	simm.s32 @!p2 $0x0  }
0x1d: {  	s5 =	simm.s32 @p1 $0x1;
	p0 =	seq.s32 s7, s2  }
0x1e: {  	s7 =	smul.u32 @!p0 $0xF7A, s2;
	p2 =	seq.s32 @!p0 s5, $0x0  }
0x1f: {  	s9 =	smul.u32 $0xF7A, s1;
	s8 =	simm.s32 @!p0 $0x1BF5;
	p2 =	por !p2, p0  }
0x20: {  	[sflag:s8] =	ssyncset.s32 @!p0 $0xFFFFF086;
	s6 =	sadd.s32 @!p0 s3, s7;
	s7 =	simm.s32 @!p0 $0x108  }
0x21: {  	s3 =	sadd.s32 s3, s9;
	s6 =	sadd.s32 @!p0 $0x88, s6;
	s7 =	simm.s32 @p2 $0x1082  }
0x22: {  	[simem:s7], [sflag:s8] =	dma.local @!p0 [hbm:s6], $0xF7A  }
0x23: {  	s9 =	sor.u32 $0xD0000000, s2;
	s6 =	simm.s32 $0x108;
	_ =	swait.ge @!p0 [sflag:s8], $0x0  }
0x24: {  	s3 =	sadd.s32 $0x88, s3;
	s6 =	simm.s32 @!p1 $0x1082;
	[sflag:s4] =	ssyncset.s32 $0xFFFFF086  }
0x25: {  	[simem:s6], [sflag:s4] =	dma.local [hbm:s3], $0xF7A  }
0x26: {  	[smem:$0x3F97] =	sst s1;
	(tag) =	ssettag s2;
	_ =	strace s9  }
0x27: {  	s1 =	sld [smem:$0x3FA7]  }
0x28: {  	s2 =	sld [smem:$0x3FA8]  }
0x29: {  	s4 =	sld [smem:$0x3FAA]  }
0x2a: {  	p0 =	seq.s32 s5, $0x0;
	s5 =	sld [smem:$0x3FAB]  }
0x2b: {  	s6 =	sld [smem:$0x3FAC]  }
0x2c: {  	s7 =	sld [smem:$0x3FAD]  }
0x2d: {  	s3 =	simm.s32 $0x108;
	s8 =	sld [smem:$0x3FAE]  }
0x2e: {  	s3 =	simm.s32 @!p0 $0x1082;
	s9 =	sld [smem:$0x3FAF]  }
0x2f: {  	lr =	sadd.s32 s0, s3;
	s0 =	sld [smem:$0x3FA6]  }
0x30: {  	s3 =	sld [smem:$0x3FA9]  }
0x31: {  	[smem:$0x3FB2] =	sst s10  }
0x32: {  	s10 =	sld [smem:$0x3FB0];
	_ =	sdelay $0x3  }
0x33: {  	p0 =	seq.s32 s10, $0x1;
	s10 =	sld [smem:$0x3FB2];
	_ =	sdelay $0x3  }
0x34: {  	[smem:$0x3FB2] =	sst s10  }
0x35: {  	s10 =	sld [smem:$0x3FB1];
	_ =	sdelay $0x3  }
0x36: {  	p1 =	seq.s32 s10, $0x1;
	s10 =	sld [smem:$0x3FB2];
	_ =	sdelay $0x3  }
0x37: {  	[smem:$0x3FB2] =	sst s10  }
0x38: {  	s10 =	sld [smem:$0x3FB3]  }
0x39: {  	_ = 	snop;
	(pc) =	sbr.ind lr, $3  }
0x3a: {  	_ = 	snop  }
0x3b: {  	_ = 	snop  }
0x3c: {  	p2 =	seq.s32 s10, $0x1;
	s10 =	sld [smem:$0x3FB2]  }
0x3d: {  	_ =	shalt  }
0x3e: {  	_ =	shalt  }
0x3f: {  	_ =	shalt  }
0x40: {  	_ =	shalt  }
0x41: {  	_ =	shalt  }
0x42: {  	_ =	shalt  }
0x43: {  	_ =	shalt  }
0x44: {  	_ =	shalt  }
0x45: {  	_ =	shalt  }
0x46: {  	_ =	shalt  }
0x47: {  	_ =	shalt  }
0x48: {  	_ =	shalt  }
0x49: {  	_ =	shalt  }
0x4a: {  	_ =	shalt  }
0x4b: {  	_ =	shalt  }
0x4c: {  	_ =	shalt  }
0x4d: {  	_ =	shalt  }
0x4e: {  	_ =	shalt  }
0x4f: {  	_ =	shalt  }
0x50: {  	_ =	shalt  }
0x51: {  	_ =	shalt  }
0x52: {  	_ =	shalt  }
0x53: {  	_ =	shalt  }
0x54: {  	_ =	shalt  }
0x55: {  	_ =	shalt  }
0x56: {  	_ =	shalt  }
0x57: {  	_ =	shalt  }
0x58: {  	_ =	shalt  }
0x59: {  	_ =	shalt  }
0x5a: {  	_ =	shalt  }
0x5b: {  	_ =	shalt  }
0x5c: {  	_ =	shalt  }
0x5d: {  	_ =	shalt  }
0x5e: {  	_ =	shalt  }
0x5f: {  	_ =	shalt  }
0x60: {  	_ =	shalt  }
0x61: {  	_ =	shalt  }
0x62: {  	_ =	shalt  }
0x63: {  	_ =	shalt  }
0x64: {  	_ =	shalt  }
0x65: {  	_ =	shalt  }
0x66: {  	_ =	shalt  }
0x67: {  	_ =	shalt  }
0x68: {  	_ =	shalt  }
0x69: {  	_ =	shalt  }
0x6a: {  	_ =	shalt  }
0x6b: {  	_ =	shalt  }
0x6c: {  	_ =	shalt  }
0x6d: {  	_ =	shalt  }
0x6e: {  	_ =	shalt  }
0x6f: {  	_ =	shalt  }
0x70: {  	_ =	shalt  }
0x71: {  	_ =	shalt  }
0x72: {  	_ =	shalt  }
0x73: {  	_ =	shalt  }
0x74: {  	_ =	shalt  }
0x75: {  	_ =	shalt  }
0x76: {  	_ =	shalt  }
0x77: {  	_ =	shalt  }
0x78: {  	_ =	shalt  }
0x79: {  	_ =	shalt  }
0x7a: {  	_ =	shalt  }
0x7b: {  	_ =	shalt  }
0x7c: {  	_ =	shalt  }
0x7d: {  	_ =	shalt  }
0x7e: {  	_ =	shalt  }
0x7f: {  	_ =	shalt  }
0x80: {  	_ =	shalt  }
0x81: {  	_ =	shalt  }
0x82: {  	_ =	shalt  }
0x83: {  	_ =	shalt  }
0x84: {  	_ =	shalt  }
0x85: {  	_ =	shalt  }
0x86: {  	_ =	shalt  }
0x87: {  	_ =	shalt  }
.Lfunc_end0:
.L_simem_size_0:
called_computation_lowered:
.L_overlay_start_0:
0x88: {  	s2 =	sld [smem:$0x3FD9]  }
0x89: {  	s3 =	sld [smem:$0x3FFE];
	_ =	sdelay $0x1  }
0x8a: {  	s1 =	srdreg.scid  }
0x8b: {  	s0 =	sand.u32 $0x1, s1  }
0x8c: {  	s14 =	sshll.u32 s0, $0xA;
	s2 =	sadd.s32 s3, s2  }
0x8d: {  	s2 =	sadd.s32 s2, s14  }
0x8e: {  	[smem:$0x3FBE] =	sst s2  }
0x8f: {  	_ = 	snop  }
0x90: {  	s2 =	sld [smem:$0x3FD0];
	_ =	sdelay $0x2  }
0x91: {  	s4 =	simm.s32 $0xA;
	s5 =	simm.s32 $0x10;
	s15 =	sld [smem:$0x3FC8]  }
0x92: {  	[smem:s5], [sflag:s4] =	dma.local [hbm:s2], $0x1  }
0x93: {  	_ =	swait.eq [sflag:s4], $0x1  }
0x94: {  	[sflag:s4] =	ssyncset.done $0x0  }
0x95: {  	[sflag:s4] =	ssyncadd.s32 $0xFFFFFFFF  }
0x96: {  	s16 =	sld [smem:$0x11];
	(tm) =	ssettm $0x1  }
0x97: {  	s17 =	sld [smem:$0x3FFB];
	_ =	sdelay $0x3  }
0x98: {  	_ =	strace s17  }
0x99: {  	s4 =	sld [smem:$0x3FFC];
	_ =	sdelay $0x3  }
0x9a: {  	_ =	strace s4  }
0x9b: {  	s4 =	sld [smem:$0x3FFD];
	_ =	sdelay $0x3  }
0x9c: {  	_ =	strace s4  }
0x9d: {  	_ =	strace $0x8FFFFFFF  }
0x9e: {  	s18 =	sld [smem:$0x3FDB];
	_ =	sdelay $0x1  }
0x9f: {  	s19 =	simm.s32 $_scs_section_size  }
0xa0: {  	s6 =	simm.s32 $_size__tile_overlayer_lowered;
	s7 =	simm.s32 $_tile_overlayer_lowered  }
0xa1: {  	s22 =	simm.s32 $0x1BFF;
	s21 =	sshll.u32 s7, $0x1;
	s4 =	sadd.s32 s19, s18  }
0xa2: {  	s8 =	simm.s32 $0x0;
	s20 =	sshll.u32 s6, $0x1;
	s6 =	sadd.s32 s21, s4  }
0xa3: {  	[timem:s8], [sflag:s22] =	dma.local [hbm:s6], s20  }
0xa4: {  	_ =	swait.ge [sflag:s22], s20  }
0xa5: {  	s5 =	ssub.s32 $0x0, s20;
	[sflag:s22] =	ssyncset.done $0x0  }
0xa6: {  	[sflag:s22] =	ssyncadd.s32 s5;
	_ =	sdelay $0x1  }
0xa7: {  	s23 =	simm.s32 $0x1B8B  }
0xa8: {  	_ =	swait.ge [sflag:s23], $0x1  }
0xa9: {  	[sflag:s23] =	ssyncset.done $0x0  }
0xaa: {  	s25 =	simm.s32 $0x1B8E;
	s24 =	sld [smem:$0x3FFE];
	[sflag:s23] =	ssyncadd.s32 $0xFFFFFFFF  }
0xab: {  	s26 =	simm.s32 $execute0_lowered;
	[smem:$0x3FD2] =	sst s25  }
0xac: {  	s6 =	sshll.u32 s26, $0x1;
	_ =	strace $0x80000046;
	[dreg:$0x1] =	wrdreg $0xFFFFFFFF  }
0xad: {  	s28 =	simm.s32 $_size_execute0_lowered;
	s4 =	sadd.s32 s4, s6;
	[dreg:$0x0] =	wrdreg $0x0  }
0xae: {  	s6 =	sshll.u32 s28, $0x1;
	[dreg:$0x2] =	wrdreg s4  }
0xaf: {  	[dreg:$0x3] =	wrdreg s6  }
0xb0: {  	[dreg:$0x4] =	wrdreg $0xC0  }
0xb1: {  	_ =	task [dreg:s8], $0x5FFFF  }
0xb2: {  	[dreg:$0x1] =	wrdreg $0xFFFFFFFF  }
0xb3: {  	[dreg:$0x0] =	wrdreg $0x60  }
0xb4: {  	[dreg:$0x2] =	wrdreg s15  }
0xb5: {  	[dreg:$0x3] =	wrdreg s24  }
0xb6: {  	[dreg:$0x4] =	wrdreg s16  }
0xb7: {  	[dreg:$0x5] =	wrdreg $0x9  }
0xb8: {  	_ =	task.clear_ibuf [dreg:s8], $0x6FFFF;
	_ =	strace $0x90000046  }
0xb9: {  	s29 =	simm.s32 $0x9;
	_ =	strace $0x80000048  }
0xba: {  	_ =	swait.ge [sflag:s29], $0x1  }
0xbb: {  	[sflag:s29] =	ssyncadd.s32 $0xFFFFFFFF  }
0xbc: {  	_ =	strace $0x90000048  }
0xbd: {  	_ =	sfence  }
0xbe: {  	s30 =	sld [smem:$0x0];
	_ =	sdelay $0x2  }
0xbf: {  	s31 =	sshll.u32 s1, $0xD;
	s1 =	sshrl.u32 s1, $0x2  }
0xc0: {  	s3 =	sand.u32 $0x4000, s31;
	s1 =	sadd.s32 s1, s30  }
0xc1: {  	s0 =	sor.u32 s3, s0;
	s1 =	sshll.u32 s1, $0x11  }
0xc2: {  	s0 =	sor.u32 s1, s0  }
0xc3: {  	s0 =	sadd.s32 $0x8F2B, s0  }
0xc4: {  	[sflag:s0] =	ssyncadd.remote.s32 $0x1  }
0xc5: {  	_ =	sfence.sel $0xFFFF  }
0xc6: {  	[dreg:$0x0] =	wrdreg $0xFFFFFFFF;
	(pc) =	sbr.abs _section_cstart, $3  }
0xc7: {  	[dreg:$0x1] =	wrdreg $0xFFFFFFFF  }
0xc8: {  	_ =	task.clear_ibuf [dreg:s8], $0x2FFFF;
	_ =	strace $0x9FFFFFFF  }
0xc9: {  	(tm) =	ssettm $0x7FFFFFFF  }
tec
execute0_lowered:
.L_overlay_start_1:
0x0: {  	(tag) =	ssettag $0x1  }
0x1: {  	s0 =	rddreg [dreg:$0x0]  }
0x2: {  	s1 =	rddreg [dreg:$0x1]  }
0x3: {  	s5 =	rddreg [dreg:$0x2]  }
0x4: {  	s2 =	simm.s32 $0x0;
	s3 =	srdreg.scid;
	s6 =	stileid.u32  }
0x5: {  	s20 =	simm.s32 $0x6200;
	s21 =	simm.s32 $0x6A00;
	s22 =	simm.s32 $0x7200  }
0x6: {  	s23 =	simm.s32 $0x7A00;
	s28 =	simm.s32 $0x9A00;
	s29 =	simm.s32 $0xA200  }
0x7: {  	s30 =	simm.s32 $0xAA00;
	s31 =	simm.s32 $0xB200;
	s9 =	simm.s32 $0xCA00  }
0x8: {  	s10 =	simm.s32 $0xD200;
	s11 =	simm.s32 $0xDA00;
	s12 =	simm.s32 $0xE200  }
0x9: {  	s13 =	simm.s32 $0xEA00;
	s14 =	simm.s32 $0xF200;
	s15 =	simm.s32 $0xFA00  }
0xa: {  	s16 =	simm.s32 $0x1;
	s17 =	simm.s32 $0x0;
	s4 =	sand.u32 $0x1, s3  }
0xb: {  	[smem:$0x7FF] =	sst s2;
	s6 =	sshll.u32 s6, $0xA;
	s7 =	sshll.u32 s4, $0x9  }
0xc: {  	s3 =	sadd.s32 $0x1A00, s1;
	s24 =	ssub.s32 $0x2, s4;
	s25 =	sor.u32 s7, s6  }
0xd: {  	_ =	strace $0x80000047;
	s26 =	sshrl.u32 s24, $0x1;
	s7 =	sshrl.u32 s25, $0x3  }
0xe: {  	s8 =	sshll.u32 s25, $0x4;
	s1 =	ssub.s32 s24, s26;
	s24 =	simm.s32 $0x8200  }
0xf: {  	s25 =	simm.s32 $0x8A00;
	s26 =	simm.s32 $0x9200;
	s4 =	sadd.s32 s0, s7  }
0x10: {  	s5 =	sadd.s32 s5, s8;
	s6 =	smax.u32 s1, $0x1;
	s7 =	simm.s32 $0x2  }
0x11: {  	vm0 =	vmmov $0xffff;
	s8 =	simm.s32 $0x200;
	s0 =	simm.s32 $0xBA00;
	s1 =	simm.s32 $0xC200  }
.LBB2_1:
0x12: {  	[tilespmem:s2], [sflag:$0x2] =	stream.linear.gather [hbm4b:s4+s2], $0x200, $0x38;
	[tilespmem:$0x10200] =	vst v63  }
0x13: {  	_ =	swait.ge [sflag:s7], $0x200  }
0x14: {  	[sflag:s7] =	ssyncset.done $0x0  }
0x15: {  	s18 =	simm.s32 $0x0;
	s19 =	simm.s32 $0x40;
	[sflag:s7] =	ssyncadd.s32 $0xFFFFFE00  }
.LBB2_2:
0x16: {  	p0 =	sne.s32 s19, $0x7C0;
	v0 =	vld [tilespmem:s18+$0x0];
	_ =	sdelay $0x4  }
.Ltmp0:
0x17: {  	vm1 =	vgt.s32 v0, $0xFFFFFFFF;
	(pc) =	sbr.rel @p0 .LBB2_2-.Ltmp0, $4  }
0x18: {  	v0 =	vnsel vm1, $0x186A0, v0  }
0x19: {  	vm1 =	vlt.s32 v0, $0xC800;
	v1 =	vadd.s32 $0xFFFF3800, v0  }
0x1a: {  	v0 =	vsel vm1, v0, v1  }
0x1b: {  	[tilespmem:s18+$0x0] =	vst v0;
	s18 =	sshra.s32 s19, $0x2;
	s19 =	sadd.s32 $0x40, s19  }
0x1c: {  	v0 =	vld [tilespmem:s18+$0x0];
	_ =	sdelay $0x4  }
0x1d: {  	vm1 =	vgt.s32 v0, $0xFFFFFFFF  }
0x1e: {  	v0 =	vnsel vm1, $0x186A0, v0  }
0x1f: {  	vm1 =	vlt.s32 v0, $0xC800;
	v1 =	vadd.s32 $0xFFFF3800, v0  }
0x20: {  	v0 =	vsel vm1, v0, v1  }
0x21: {  	[tilespmem:s18+$0x0] =	vst v0  }
0x22: {  	v0 =	vld [tilespmem:$0x0];
	_ =	sdelay $0x7  }
0x23: {  	[tilespmem:s8], [sflag:$0x1] =	stream.indirect_vreg.gather [hbm4b:s3+s2], $0x80, v0, vm0, $0xb8;
	[tilespmem:$0x10200] =	vst v63  }
0x24: {  	v0 =	vld [tilespmem:$0x10];
	_ =	sdelay $0x6  }
0x25: {  	s19 =	simm.s32 $0xA00  }
0x26: {  	[tilespmem:s19], [sflag:$0x1] =	stream.indirect_vreg.gather [hbm4b:s3+s2], $0x80, v0, vm0, $0xb8;
	[tilespmem:$0x10200] =	vst v63  }
0x27: {  	v0 =	vld [tilespmem:$0x20];
	_ =	sdelay $0x6  }
0x28: {  	s19 =	simm.s32 $0x1200  }
0x29: {  	[tilespmem:s19], [sflag:$0x1] =	stream.indirect_vreg.gather [hbm4b:s3+s2], $0x80, v0, vm0, $0xb8;
	[tilespmem:$0x10200] =	vst v63  }
0x2a: {  	v0 =	vld [tilespmem:$0x30];
	_ =	sdelay $0x6  }
0x2b: {  	s19 =	simm.s32 $0x1A00  }
0x2c: {  	[tilespmem:s19], [sflag:$0x1] =	stream.indirect_vreg.gather [hbm4b:s3+s2], $0x80, v0, vm0, $0xb8;
	[tilespmem:$0x10200] =	vst v63  }
0x2d: {  	v0 =	vld [tilespmem:$0x40];
	_ =	sdelay $0x6  }
0x2e: {  	s19 =	simm.s32 $0x2200  }
0x2f: {  	[tilespmem:s19], [sflag:$0x1] =	stream.indirect_vreg.gather [hbm4b:s3+s2], $0x80, v0, vm0, $0xb8;
	[tilespmem:$0x10200] =	vst v63  }
0x30: {  	v0 =	vld [tilespmem:$0x50];
	_ =	sdelay $0x6  }
0x31: {  	s19 =	simm.s32 $0x2A00  }
0x32: {  	[tilespmem:s19], [sflag:$0x1] =	stream.indirect_vreg.gather [hbm4b:s3+s2], $0x80, v0, vm0, $0xb8;
	[tilespmem:$0x10200] =	vst v63  }
0x33: {  	v0 =	vld [tilespmem:$0x60];
	_ =	sdelay $0x6  }
0x34: {  	s19 =	simm.s32 $0x3200  }
0x35: {  	[tilespmem:s19], [sflag:$0x1] =	stream.indirect_vreg.gather [hbm4b:s3+s2], $0x80, v0, vm0, $0xb8;
	[tilespmem:$0x10200] =	vst v63  }
0x36: {  	v0 =	vld [tilespmem:$0x70];
	_ =	sdelay $0x6  }
0x37: {  	s19 =	simm.s32 $0x3A00  }
0x38: {  	[tilespmem:s19], [sflag:$0x1] =	stream.indirect_vreg.gather [hbm4b:s3+s2], $0x80, v0, vm0, $0xb8;
	[tilespmem:$0x10200] =	vst v63  }
0x39: {  	v0 =	vld [tilespmem:$0x80];
	_ =	sdelay $0x6  }
0x3a: {  	s19 =	simm.s32 $0x4200  }
0x3b: {  	[tilespmem:s19], [sflag:$0x1] =	stream.indirect_vreg.gather [hbm4b:s3+s2], $0x80, v0, vm0, $0xb8;
	[tilespmem:$0x10200] =	vst v63  }
0x3c: {  	v0 =	vld [tilespmem:$0x90];
	_ =	sdelay $0x6  }
0x3d: {  	s19 =	simm.s32 $0x4A00  }
0x3e: {  	[tilespmem:s19], [sflag:$0x1] =	stream.indirect_vreg.gather [hbm4b:s3+s2], $0x80, v0, vm0, $0xb8;
	[tilespmem:$0x10200] =	vst v63  }
0x3f: {  	v0 =	vld [tilespmem:$0xA0];
	_ =	sdelay $0x6  }
0x40: {  	s19 =	simm.s32 $0x5200  }
0x41: {  	[tilespmem:s19], [sflag:$0x1] =	stream.indirect_vreg.gather [hbm4b:s3+s2], $0x80, v0, vm0, $0xb8;
	[tilespmem:$0x10200] =	vst v63  }
0x42: {  	v0 =	vld [tilespmem:$0xB0];
	_ =	sdelay $0x6  }
0x43: {  	s19 =	simm.s32 $0x5A00  }
0x44: {  	[tilespmem:s19], [sflag:$0x1] =	stream.indirect_vreg.gather [hbm4b:s3+s2], $0x80, v0, vm0, $0xb8;
	[tilespmem:$0x10200] =	vst v63  }
0x45: {  	v0 =	vld [tilespmem:$0xC0];
	_ =	sdelay $0x7  }
0x46: {  	[tilespmem:s20], [sflag:$0x1] =	stream.indirect_vreg.gather [hbm4b:s3+s2], $0x80, v0, vm0, $0xb8;
	[tilespmem:$0x10200] =	vst v63  }
0x47: {  	v0 =	vld [tilespmem:$0xD0];
	_ =	sdelay $0x7  }
0x48: {  	[tilespmem:s21], [sflag:$0x1] =	stream.indirect_vreg.gather [hbm4b:s3+s2], $0x80, v0, vm0, $0xb8;
	[tilespmem:$0x10200] =	vst v63  }
0x49: {  	v0 =	vld [tilespmem:$0xE0];
	_ =	sdelay $0x7  }
0x4a: {  	[tilespmem:s22], [sflag:$0x1] =	stream.indirect_vreg.gather [hbm4b:s3+s2], $0x80, v0, vm0, $0xb8;
	[tilespmem:$0x10200] =	vst v63  }
0x4b: {  	v0 =	vld [tilespmem:$0xF0];
	_ =	sdelay $0x7  }
0x4c: {  	[tilespmem:s23], [sflag:$0x1] =	stream.indirect_vreg.gather [hbm4b:s3+s2], $0x80, v0, vm0, $0xb8;
	[tilespmem:$0x10200] =	vst v63  }
0x4d: {  	v0 =	vld [tilespmem:$0x100];
	_ =	sdelay $0x7  }
0x4e: {  	[tilespmem:s24], [sflag:$0x1] =	stream.indirect_vreg.gather [hbm4b:s3+s2], $0x80, v0, vm0, $0xb8;
	[tilespmem:$0x10200] =	vst v63  }
0x4f: {  	v0 =	vld [tilespmem:$0x110];
	_ =	sdelay $0x7  }
0x50: {  	[tilespmem:s25], [sflag:$0x1] =	stream.indirect_vreg.gather [hbm4b:s3+s2], $0x80, v0, vm0, $0xb8;
	[tilespmem:$0x10200] =	vst v63  }
0x51: {  	v0 =	vld [tilespmem:$0x120];
	_ =	sdelay $0x7  }
0x52: {  	[tilespmem:s26], [sflag:$0x1] =	stream.indirect_vreg.gather [hbm4b:s3+s2], $0x80, v0, vm0, $0xb8;
	[tilespmem:$0x10200] =	vst v63  }
0x53: {  	v0 =	vld [tilespmem:$0x130];
	_ =	sdelay $0x7  }
0x54: {  	[tilespmem:s28], [sflag:$0x1] =	stream.indirect_vreg.gather [hbm4b:s3+s2], $0x80, v0, vm0, $0xb8;
	[tilespmem:$0x10200] =	vst v63  }
0x55: {  	v0 =	vld [tilespmem:$0x140];
	_ =	sdelay $0x7  }
0x56: {  	[tilespmem:s29], [sflag:$0x1] =	stream.indirect_vreg.gather [hbm4b:s3+s2], $0x80, v0, vm0, $0xb8;
	[tilespmem:$0x10200] =	vst v63  }
0x57: {  	v0 =	vld [tilespmem:$0x150];
	_ =	sdelay $0x7  }
0x58: {  	[tilespmem:s30], [sflag:$0x1] =	stream.indirect_vreg.gather [hbm4b:s3+s2], $0x80, v0, vm0, $0xb8;
	[tilespmem:$0x10200] =	vst v63  }
0x59: {  	v0 =	vld [tilespmem:$0x160];
	_ =	sdelay $0x7  }
0x5a: {  	[tilespmem:s31], [sflag:$0x1] =	stream.indirect_vreg.gather [hbm4b:s3+s2], $0x80, v0, vm0, $0xb8;
	[tilespmem:$0x10200] =	vst v63  }
0x5b: {  	v0 =	vld [tilespmem:$0x170];
	_ =	sdelay $0x7  }
0x5c: {  	[tilespmem:s0], [sflag:$0x1] =	stream.indirect_vreg.gather [hbm4b:s3+s2], $0x80, v0, vm0, $0xb8;
	[tilespmem:$0x10200] =	vst v63  }
0x5d: {  	v0 =	vld [tilespmem:$0x180];
	_ =	sdelay $0x7  }
0x5e: {  	[tilespmem:s1], [sflag:$0x1] =	stream.indirect_vreg.gather [hbm4b:s3+s2], $0x80, v0, vm0, $0xb8;
	[tilespmem:$0x10200] =	vst v63  }
0x5f: {  	v0 =	vld [tilespmem:$0x190];
	_ =	sdelay $0x7  }
0x60: {  	[tilespmem:s9], [sflag:$0x1] =	stream.indirect_vreg.gather [hbm4b:s3+s2], $0x80, v0, vm0, $0xb8;
	[tilespmem:$0x10200] =	vst v63  }
0x61: {  	v0 =	vld [tilespmem:$0x1A0];
	_ =	sdelay $0x7  }
0x62: {  	[tilespmem:s10], [sflag:$0x1] =	stream.indirect_vreg.gather [hbm4b:s3+s2], $0x80, v0, vm0, $0xb8;
	[tilespmem:$0x10200] =	vst v63  }
0x63: {  	v0 =	vld [tilespmem:$0x1B0];
	_ =	sdelay $0x7  }
0x64: {  	[tilespmem:s11], [sflag:$0x1] =	stream.indirect_vreg.gather [hbm4b:s3+s2], $0x80, v0, vm0, $0xb8;
	[tilespmem:$0x10200] =	vst v63  }
0x65: {  	v0 =	vld [tilespmem:$0x1C0];
	_ =	sdelay $0x7  }
0x66: {  	[tilespmem:s12], [sflag:$0x1] =	stream.indirect_vreg.gather [hbm4b:s3+s2], $0x80, v0, vm0, $0xb8;
	[tilespmem:$0x10200] =	vst v63  }
0x67: {  	v0 =	vld [tilespmem:$0x1D0];
	_ =	sdelay $0x7  }
0x68: {  	[tilespmem:s13], [sflag:$0x1] =	stream.indirect_vreg.gather [hbm4b:s3+s2], $0x80, v0, vm0, $0xb8;
	[tilespmem:$0x10200] =	vst v63  }
0x69: {  	v0 =	vld [tilespmem:$0x1E0];
	_ =	sdelay $0x7  }
0x6a: {  	[tilespmem:s14], [sflag:$0x1] =	stream.indirect_vreg.gather [hbm4b:s3+s2], $0x80, v0, vm0, $0xb8;
	[tilespmem:$0x10200] =	vst v63  }
0x6b: {  	v0 =	vld [tilespmem:$0x1F0];
	_ =	sdelay $0x7  }
0x6c: {  	[tilespmem:s15], [sflag:$0x1] =	stream.indirect_vreg.gather [hbm4b:s3+s2], $0x80, v0, vm0, $0xb8;
	[tilespmem:$0x10200] =	vst v63  }
0x6d: {  	_ =	swait.ge [sflag:s16], $0x800  }
0x6e: {  	[sflag:s16] =	ssyncset.done $0x0  }
0x6f: {  	[sflag:s16] =	ssyncadd.s32 $0xFFFFF800  }
0x70: {  	_ =	swait.ge [sflag:s16], $0x800  }
0x71: {  	[sflag:s16] =	ssyncset.done $0x0  }
0x72: {  	[sflag:s16] =	ssyncadd.s32 $0xFFFFF800  }
0x73: {  	_ =	swait.ge [sflag:s16], $0x800  }
0x74: {  	[sflag:s16] =	ssyncset.done $0x0  }
0x75: {  	[sflag:s16] =	ssyncadd.s32 $0xFFFFF800  }
0x76: {  	_ =	swait.ge [sflag:s16], $0x800  }
0x77: {  	[sflag:s16] =	ssyncset.done $0x0  }
0x78: {  	[sflag:s16] =	ssyncadd.s32 $0xFFFFF800  }
0x79: {  	_ =	swait.ge [sflag:s16], $0x800  }
0x7a: {  	[sflag:s16] =	ssyncset.done $0x0  }
0x7b: {  	[sflag:s16] =	ssyncadd.s32 $0xFFFFF800  }
0x7c: {  	_ =	swait.ge [sflag:s16], $0x800  }
0x7d: {  	[sflag:s16] =	ssyncset.done $0x0  }
0x7e: {  	[sflag:s16] =	ssyncadd.s32 $0xFFFFF800  }
0x7f: {  	_ =	swait.ge [sflag:s16], $0x800  }
0x80: {  	[sflag:s16] =	ssyncset.done $0x0  }
0x81: {  	[sflag:s16] =	ssyncadd.s32 $0xFFFFF800  }
0x82: {  	_ =	swait.ge [sflag:s16], $0x800  }
0x83: {  	[sflag:s16] =	ssyncset.done $0x0  }
0x84: {  	[sflag:s16] =	ssyncadd.s32 $0xFFFFF800  }
0x85: {  	_ =	swait.ge [sflag:s16], $0x800  }
0x86: {  	[sflag:s16] =	ssyncset.done $0x0  }
0x87: {  	[sflag:s16] =	ssyncadd.s32 $0xFFFFF800  }
0x88: {  	_ =	swait.ge [sflag:s16], $0x800  }
0x89: {  	[sflag:s16] =	ssyncset.done $0x0  }
0x8a: {  	[sflag:s16] =	ssyncadd.s32 $0xFFFFF800  }
0x8b: {  	_ =	swait.ge [sflag:s16], $0x800  }
0x8c: {  	[sflag:s16] =	ssyncset.done $0x0  }
0x8d: {  	[sflag:s16] =	ssyncadd.s32 $0xFFFFF800  }
0x8e: {  	_ =	swait.ge [sflag:s16], $0x800  }
0x8f: {  	[sflag:s16] =	ssyncset.done $0x0  }
0x90: {  	[sflag:s16] =	ssyncadd.s32 $0xFFFFF800  }
0x91: {  	_ =	swait.ge [sflag:s16], $0x800  }
0x92: {  	[sflag:s16] =	ssyncset.done $0x0  }
0x93: {  	[sflag:s16] =	ssyncadd.s32 $0xFFFFF800  }
0x94: {  	_ =	swait.ge [sflag:s16], $0x800  }
0x95: {  	[sflag:s16] =	ssyncset.done $0x0  }
0x96: {  	[sflag:s16] =	ssyncadd.s32 $0xFFFFF800  }
0x97: {  	_ =	swait.ge [sflag:s16], $0x800  }
0x98: {  	[sflag:s16] =	ssyncset.done $0x0  }
0x99: {  	[sflag:s16] =	ssyncadd.s32 $0xFFFFF800  }
0x9a: {  	_ =	swait.ge [sflag:s16], $0x800  }
0x9b: {  	[sflag:s16] =	ssyncset.done $0x0  }
0x9c: {  	[sflag:s16] =	ssyncadd.s32 $0xFFFFF800  }
0x9d: {  	_ =	swait.ge [sflag:s16], $0x800  }
0x9e: {  	[sflag:s16] =	ssyncset.done $0x0  }
0x9f: {  	[sflag:s16] =	ssyncadd.s32 $0xFFFFF800  }
0xa0: {  	_ =	swait.ge [sflag:s16], $0x800  }
0xa1: {  	[sflag:s16] =	ssyncset.done $0x0  }
0xa2: {  	[sflag:s16] =	ssyncadd.s32 $0xFFFFF800  }
0xa3: {  	_ =	swait.ge [sflag:s16], $0x800  }
0xa4: {  	[sflag:s16] =	ssyncset.done $0x0  }
0xa5: {  	[sflag:s16] =	ssyncadd.s32 $0xFFFFF800  }
0xa6: {  	_ =	swait.ge [sflag:s16], $0x800  }
0xa7: {  	[sflag:s16] =	ssyncset.done $0x0  }
0xa8: {  	[sflag:s16] =	ssyncadd.s32 $0xFFFFF800  }
0xa9: {  	_ =	swait.ge [sflag:s16], $0x800  }
0xaa: {  	[sflag:s16] =	ssyncset.done $0x0  }
0xab: {  	[sflag:s16] =	ssyncadd.s32 $0xFFFFF800  }
0xac: {  	_ =	swait.ge [sflag:s16], $0x800  }
0xad: {  	[sflag:s16] =	ssyncset.done $0x0  }
0xae: {  	[sflag:s16] =	ssyncadd.s32 $0xFFFFF800  }
0xaf: {  	_ =	swait.ge [sflag:s16], $0x800  }
0xb0: {  	[sflag:s16] =	ssyncset.done $0x0  }
0xb1: {  	[sflag:s16] =	ssyncadd.s32 $0xFFFFF800  }
0xb2: {  	_ =	swait.ge [sflag:s16], $0x800  }
0xb3: {  	[sflag:s16] =	ssyncset.done $0x0  }
0xb4: {  	[sflag:s16] =	ssyncadd.s32 $0xFFFFF800  }
0xb5: {  	_ =	swait.ge [sflag:s16], $0x800  }
0xb6: {  	[sflag:s16] =	ssyncset.done $0x0  }
0xb7: {  	[sflag:s16] =	ssyncadd.s32 $0xFFFFF800  }
0xb8: {  	_ =	swait.ge [sflag:s16], $0x800  }
0xb9: {  	[sflag:s16] =	ssyncset.done $0x0  }
0xba: {  	[sflag:s16] =	ssyncadd.s32 $0xFFFFF800  }
0xbb: {  	_ =	swait.ge [sflag:s16], $0x800  }
0xbc: {  	[sflag:s16] =	ssyncset.done $0x0  }
0xbd: {  	[sflag:s16] =	ssyncadd.s32 $0xFFFFF800  }
0xbe: {  	_ =	swait.ge [sflag:s16], $0x800  }
0xbf: {  	[sflag:s16] =	ssyncset.done $0x0  }
0xc0: {  	[sflag:s16] =	ssyncadd.s32 $0xFFFFF800  }
0xc1: {  	_ =	swait.ge [sflag:s16], $0x800  }
0xc2: {  	[sflag:s16] =	ssyncset.done $0x0  }
0xc3: {  	[sflag:s16] =	ssyncadd.s32 $0xFFFFF800  }
0xc4: {  	_ =	swait.ge [sflag:s16], $0x800  }
0xc5: {  	[sflag:s16] =	ssyncset.done $0x0  }
0xc6: {  	[sflag:s16] =	ssyncadd.s32 $0xFFFFF800  }
0xc7: {  	_ =	swait.ge [sflag:s16], $0x800  }
0xc8: {  	[sflag:s16] =	ssyncset.done $0x0  }
0xc9: {  	[sflag:s16] =	ssyncadd.s32 $0xFFFFF800  }
0xca: {  	s17 =	sadd.s32 $0x1, s17;
	_ =	swait.ge [sflag:s16], $0x800  }
0xcb: {  	p0 =	sne.s32 s17, s6;
	[sflag:s16] =	ssyncset.done $0x0  }
.Ltmp1:
0xcc: {  	[sflag:s16] =	ssyncadd.s32 $0xFFFFF800;
	(pc) =	sbr.rel @p0 .LBB2_1-.Ltmp1, $4  }
0xcd: {  	[hbm4b:s5+s2] =	stream.linear.scatter [tilespmem:s8], [sflag:$0x2], $0x10000, $0x38;
	[tilespmem:$0x10200] =	vst v63  }
0xce: {  	_ =	swait.ge [sflag:s7], $0x10000  }
0xcf: {  	[sflag:s7] =	ssyncset.done $0x0  }
0xd0: {  	[sflag:s7] =	ssyncadd.s32 $0xFFFF0000  }
0xd1: {  	_ =	sfence.sel $0x180000  }
0xd2: {  	[bflag:$0x0] =	sbarrier.arrive $0xFFFF  }
0xd3: {  	_ =	strace $0x90000047  }
0xd4: {  	s0 =	stileid.u32;
	[bflag:$0x2] =	sbarrier.arrive $0xFFFF  }
0xd5: {  	p0 =	sne.s32 s0, $0x0;
	s0 =	rddreg [dreg:$0x3]  }
0xd6: {  	s0 =	sadd.s32 @!p0 $0x100000, s0  }
0xd7: {  	[sflag:s0] =	ssyncadd.tile.s32 @!p0 $0x1;
	_ =	shalt  }
.Lfunc_end2:
_tile_overlayer_lowered:
.L_overlay_start_2:
0xd8: {  	(tag) =	ssettag $0x2  }
0xd9: {  	s0 =	rddreg [dreg:$0x0];
	s2 =	stileid.u32  }
0xda: {  	s1 =	rddreg [dreg:$0x1];
	p0 =	sne.s32 s2, $0x0  }
0xdb: {  	s3 =	rddreg [dreg:$0x2];
	[bflag:$0x3] =	sbarrier.arrive $0xFFFF;
	s2 =	simm.s32 @!p0 $0x1C02  }
0xdc: {  	[timem:s3], [sflag:s2] =	dma.local @!p0 [hbm:s0], s1  }
0xdd: {  	s0 =	simm.s32 @!p0 $0x2  }
0xde: {  	_ =	swait.ge @!p0 [sflag:s0], s1  }
0xdf: {  	s1 =	ssub.s32 @!p0 $0x0, s1;
	[sflag:s0] =	ssyncset.done @!p0 $0x0  }
0xe0: {  	[sflag:s0] =	ssyncadd.s32 @!p0 s1  }
0xe1: {  	[bflag:$0x3] =	sbarrier.arrive $0xFFFF  }
0xe2: {  	_ =	shalt  }

</sc_bundles>
